<compile_context>
chip_gen: v7x
topology: tpu7x:2x2x1
jax: 0.10.2.dev20260603
libtpu: 0.0.44.dev20260713+nightly
codegen_flags: <defaults>
</compile_context>

<pallas_src>
import functools

import jax
import jax.numpy as jnp
from jax import lax
from jax.experimental import pallas as pl
from jax.experimental.pallas import tpu as pltpu, tpu_sc as plsc

DECAY = 0.98
LR = 0.05
LOG2E = 1.4426950408889634
B, T, D = 4, 128, 64
M = 65536
BM = 8192
QT = B * T
L = 16
NV = T // L


def _sc_sort_body(sur_hbm, tok_hbm, ss_hbm, sur_v, tok_v, ss_v):
    wid = lax.axis_index("s") * 2 + lax.axis_index("c")

    @pl.when(wid == 0)
    def _tile0():
        pltpu.sync_copy(sur_hbm, sur_v)
        svecs = []
        for v in range(NV):
            acc = sur_v[0, pl.ds(v * L, L)]
            for b in range(1, B):
                acc = acc + sur_v[b, pl.ds(v * L, L)]
            sv = acc * 0.25
            svecs.append(sv)

        cnts = tuple(jnp.zeros((L,), jnp.int32) for _ in range(NV))
        for ub in range(NV):
            src = svecs[ub]

            def rank_step(r, cnts, ub=ub, src=src):
                su = lax.gather(
                    src, jnp.full((L, 1), r, jnp.int32),
                    dimension_numbers=lax.GatherDimensionNumbers(
                        offset_dims=(), collapsed_slice_dims=(0,),
                        start_index_map=(0,)),
                    slice_sizes=(1,),
                    mode=lax.GatherScatterMode.PROMISE_IN_BOUNDS)
                u = ub * L + r
                new = []
                for v in range(NV):
                    lane = lax.iota(jnp.int32, L) + (v * L)
                    gt = (su > svecs[v]).astype(jnp.int32)
                    tie = ((su == svecs[v]) & (u < lane)).astype(jnp.int32)
                    new.append(cnts[v] + gt + tie)
                return tuple(new)

            cnts = lax.fori_loop(0, L, rank_step, cnts)

        for v in range(NV):
            lane = lax.iota(jnp.int32, L) + (v * L)
            plsc.store_scatter(tok_v, [cnts[v]], lane)
            plsc.store_scatter(ss_v, [cnts[v]], svecs[v])
        pltpu.sync_copy(tok_v, tok_hbm)
        pltpu.sync_copy(ss_v, ss_hbm)


_sc_sort = functools.partial(
    pl.kernel,
    out_type=(jax.ShapeDtypeStruct((T,), jnp.int32),
              jax.ShapeDtypeStruct((T,), jnp.float32)),
    compiler_params=pltpu.CompilerParams(needs_layout_passes=False),
    mesh=plsc.VectorSubcoreMesh(core_axis_name="c", subcore_axis_name="s"),
    scratch_types=[
        pltpu.VMEM((B, T), jnp.float32),
        pltpu.VMEM((T,), jnp.int32),
        pltpu.VMEM((T,), jnp.float32),
    ],
)(_sc_sort_body)


def _flash_body(hf_ref, mem_ref, str_ref, tok_ref, ss_ref, out_ref,
                qn_ref, acc_ref, dmem_ref):
    j = pl.program_id(0)
    nb = pl.num_programs(0)
    ones_row = jnp.ones((1, D), jnp.float32)

    @pl.when(j == 0)
    def _prologue():
        hfv = hf_ref[...]
        qss = jnp.sum(hfv * hfv, axis=1, keepdims=True)
        qn_ref[...] = (hfv / jnp.maximum(jnp.sqrt(qss), 1e-12)
                       ).astype(jnp.bfloat16)

        c_io = jax.lax.broadcasted_iota(jnp.int32, (T, T), 1)
        ohot = (tok_ref[...] == c_io).astype(jnp.float32)

        mh = (hfv[0:T] + hfv[T:2 * T] + hfv[2 * T:3 * T] + hfv[3 * T:4 * T]) * 0.25
        mss = jnp.sum(mh * mh, axis=1, keepdims=True)
        mhn = mh / jnp.maximum(jnp.sqrt(mss), 1e-12)
        dmem_ref[...] = LR * jax.lax.dot_general(
            ohot, mhn, (((1,), (0,)), ((), ())),
            preferred_element_type=jnp.float32)

        acc_ref[...] = jnp.zeros((QT, D + 1), jnp.float32)

    mem_blk = mem_ref[...]
    memb = mem_blk.astype(jnp.bfloat16)
    sq = mem_blk * mem_blk
    nss = jax.lax.dot_general(
        ones_row, sq, (((1,), (1,)), ((), ())),
        preferred_element_type=jnp.float32)
    rowmul = (LOG2E * DECAY * DECAY * str_ref[...]) / jnp.maximum(
        DECAY * jnp.sqrt(nss), 1e-12)
    logits = jax.lax.dot_general(
        qn_ref[...], memb, (((1,), (1,)), ((), ())),
        preferred_element_type=jnp.float32)
    p = jnp.exp2(logits * rowmul)
    pb = p.astype(jnp.bfloat16)
    vaug = jnp.concatenate(
        [memb, jnp.ones((BM, 1), jnp.bfloat16)], axis=1)
    acc_ref[...] += jax.lax.dot_general(
        pb, vaug, (((1,), (0,)), ((), ())),
        preferred_element_type=jnp.float32)

    @pl.when(j == 0)
    def _head_correction():
        qn = qn_ref[...]
        mem_head = mem_ref[0:T, :]
        dec_head = DECAY * mem_head + dmem_ref[...]
        decb = dec_head.astype(jnp.bfloat16)
        str2h = DECAY * str_ref[...][:, 0:T] + ss_ref[...]
        nssh = jax.lax.dot_general(
            ones_row, dec_head * dec_head, (((1,), (1,)), ((), ())),
            preferred_element_type=jnp.float32)
        rmh = (LOG2E * str2h) / jnp.maximum(jnp.sqrt(nssh), 1e-12)
        lt = jax.lax.dot_general(
            qn, decb, (((1,), (1,)), ((), ())),
            preferred_element_type=jnp.float32)
        pt = jnp.exp2(lt * rmh)
        ptb = pt.astype(jnp.bfloat16)
        vdecb = (dec_head * (1.0 / DECAY)).astype(jnp.bfloat16)
        memb_head = memb[0:T]
        lw = jax.lax.dot_general(
            qn, memb_head, (((1,), (1,)), ((), ())),
            preferred_element_type=jnp.float32)
        pw = jnp.exp2(lw * rowmul[:, 0:T])
        pwb = pw.astype(jnp.bfloat16)
        vdec_aug = jnp.concatenate(
            [vdecb, jnp.ones((T, 1), jnp.bfloat16)], axis=1)
        mem_head_aug = jnp.concatenate(
            [memb_head, jnp.ones((T, 1), jnp.bfloat16)], axis=1)
        acc_ref[...] += (
            jax.lax.dot_general(ptb, vdec_aug, (((1,), (0,)), ((), ())),
                                preferred_element_type=jnp.float32)
            - jax.lax.dot_general(pwb, mem_head_aug, (((1,), (0,)), ((), ())),
                                  preferred_element_type=jnp.float32))

    @pl.when(j == nb - 1)
    def _finalize():
        acc = acc_ref[...]
        out_ref[...] = (DECAY * acc[:, :D]) / acc[:, D:D + 1]


def kernel(h, surprise, mem, strength):
    tok, ss = _sc_sort(surprise)
    hf = h.reshape(QT, D)
    strr = strength.reshape(1, M)
    out = pl.pallas_call(
        _flash_body,
        grid=(M // BM,),
        in_specs=[
            pl.BlockSpec((QT, D), lambda j: (0, 0)),
            pl.BlockSpec((BM, D), lambda j: (j, 0)),
            pl.BlockSpec((1, BM), lambda j: (0, j)),
            pl.BlockSpec((T, 1), lambda j: (0, 0)),
            pl.BlockSpec((1, T), lambda j: (0, 0)),
        ],
        out_specs=pl.BlockSpec((QT, D), lambda j: (0, 0)),
        out_shape=jax.ShapeDtypeStruct((QT, D), jnp.float32),
        scratch_shapes=[
            pltpu.VMEM((QT, D), jnp.bfloat16),
            pltpu.VMEM((QT, D + 1), jnp.float32),
            pltpu.VMEM((T, D), jnp.float32),
        ],
        compiler_params=pltpu.CompilerParams(
            dimension_semantics=("arbitrary",)),
    )(hf, mem, strr, tok.reshape(T, 1), ss.reshape(1, T))
    return out.reshape(B, T, D)

# --- scband reference (transcript-rebuilt; emitter-appended) ---
"""Pipeline reference for scband-titans-memory-74457553044432 (READ-ONLY COPY).

The authoritative reference and input builder live on the scoring server;
editing this copy changes nothing except your own understanding.
"""

import jax, jax.numpy as jnp
import numpy as np


def _normalize(x, axis=-1):
    n = jnp.linalg.norm(x, axis=axis, keepdims=True)
    return x / jnp.maximum(n, 1e-12)


def setup_inputs(seed: int = 0) -> dict:
    key = jax.random.key(seed)
    k1, k2, k3, k4 = jax.random.split(key, 4)
    h = jax.random.normal(k1, (4, 128, 64), dtype=jnp.float32)
    surprise = jax.random.uniform(k2, (4, 128), dtype=jnp.float32)
    # buffers (normally zero-initialized; randomized here so read() is nontrivial)
    mem = jax.random.normal(k3, (65536, 64), dtype=jnp.float32) * 0.02
    strength = jax.random.uniform(k4, (65536,), dtype=jnp.float32)
    return {"h": h, "surprise": surprise, "mem": mem, "strength": strength}


def reference(h, surprise, mem, strength):
    decay = 0.98
    lr = 0.05
    # ---- write (no_grad in torch) ----
    s = jnp.nan_to_num(jnp.mean(surprise, axis=0), nan=0.0)
    k = min(int(s.shape[0]), int(mem.shape[0]) // 8)
    _, idx = jax.lax.top_k(s, k)
    content = _normalize(jnp.take(jnp.mean(h, axis=0), idx, axis=0), axis=-1)
    mem2 = mem * decay
    str2 = strength * decay
    mem2 = mem2.at[:k].add(lr * content)
    str2 = str2.at[:k].add(jnp.take(s, idx))
    # ---- read ----
    q = _normalize(h, axis=-1)
    m = _normalize(mem2, axis=-1)
    attn = jnp.einsum('btd,md->btm', q, m)
    attn = attn * str2
    attn = jax.nn.softmax(attn, axis=-1)
    out = jnp.einsum('btm,md->btd', attn, mem2)
    return out

if __name__ == "__main__":
    import jax
    _d = setup_inputs()
    print(jax.jit(kernel)(*tuple(_d.values())))

</pallas_src>

<mosaic_0001>
#map = affine_map<(d0, d1) -> (0, 0)>
#map1 = affine_map<(d0, d1) -> (0)>
module attributes {stable_mosaic.version = 14 : i64} {
  func.func @_sc_sort_body(%arg0: i32, %arg1: i32, %arg2: memref<4x128xf32, #tpu.memory_space<hbm>>, %arg3: memref<128xi32, #tpu.memory_space<hbm>>, %arg4: memref<128xf32, #tpu.memory_space<hbm>>, %arg5: memref<4x128xf32, #tpu.memory_space<vmem>>, %arg6: memref<128xi32, #tpu.memory_space<vmem>>, %arg7: memref<128xf32, #tpu.memory_space<vmem>>) attributes {dimension_semantics = [#tpu.dimension_semantics<core_parallel>, #tpu.dimension_semantics<subcore_parallel>], iteration_bounds = array<i64: 2, 16>, scalar_prefetch = 0 : i64, scratch_operands = 3 : i64, tpu.core_type = #tpu.core_type<sc_vector_subcore>, window_params = [{transform_indices = #map}, {transform_indices = #map1}, {transform_indices = #map1}]} {
    %mul3A = arith.constant 2 : i32
    %mul3A_0 = arith.muli %arg1, %mul3A : i32
    %add3A = arith.addi %mul3A_0, %arg0 : i32
    %eq3A = arith.constant 0 : i32
    %eq3A_1 = arith.cmpi eq, %add3A, %eq3A : i32
    %convert_element_type3A = arith.extui %eq3A_1 : i1 to i32
    %cond3A = arith.constant 0 : i32
    %cond3A_2 = arith.cmpi ne, %convert_element_type3A, %cond3A : i32
    scf.if %cond3A_2 {
      "tpu.region"() ({
        %run_scoped3A = tpu.sem_alloc : memref<!tpu.dma_semaphore, #tpu.memory_space<semaphore_mem>>
        tpu.enqueue_dma source(%arg2 : memref<4x128xf32, #tpu.memory_space<hbm>>) target(%arg5 : memref<4x128xf32, #tpu.memory_space<vmem>>) target_semaphore(%run_scoped3A : memref<!tpu.dma_semaphore, #tpu.memory_space<semaphore_mem>>)
        tpu.wait_dma2 semaphore(%run_scoped3A : memref<!tpu.dma_semaphore, #tpu.memory_space<semaphore_mem>>) src(%arg2 : memref<4x128xf32, #tpu.memory_space<hbm>>) dst(%arg5 : memref<4x128xf32, #tpu.memory_space<vmem>>)
        tpu.yield
      }) : () -> ()
      %get3A = arith.constant 0 : i32
      %get3A_3 = arith.index_cast %get3A : i32 to index
      %get3A_4 = arith.constant 0 : index
      %get3A_5 = tpu.vector_load %arg5[%get3A_3, %get3A_4] {strides = array<i32>} : memref<4x128xf32, #tpu.memory_space<vmem>>, vector<16xf32>,
      %get3A_6 = arith.constant 1 : i32
      %get3A_7 = arith.index_cast %get3A_6 : i32 to index
      %get3A_8 = arith.constant 0 : index
      %get3A_9 = tpu.vector_load %arg5[%get3A_7, %get3A_8] {strides = array<i32>} : memref<4x128xf32, #tpu.memory_space<vmem>>, vector<16xf32>,
      %add3A_10 = arith.addf %get3A_5, %get3A_9 : vector<16xf32>
      %get3A_11 = arith.constant 2 : i32
      %get3A_12 = arith.index_cast %get3A_11 : i32 to index
      %get3A_13 = arith.constant 0 : index
      %get3A_14 = tpu.vector_load %arg5[%get3A_12, %get3A_13] {strides = array<i32>} : memref<4x128xf32, #tpu.memory_space<vmem>>, vector<16xf32>,
      %add3A_15 = arith.addf %add3A_10, %get3A_14 : vector<16xf32>
      %get3A_16 = arith.constant 3 : i32
      %get3A_17 = arith.index_cast %get3A_16 : i32 to index
      %get3A_18 = arith.constant 0 : index
      %get3A_19 = tpu.vector_load %arg5[%get3A_17, %get3A_18] {strides = array<i32>} : memref<4x128xf32, #tpu.memory_space<vmem>>, vector<16xf32>,
      %add3A_20 = arith.addf %add3A_15, %get3A_19 : vector<16xf32>
      %mul3A_21 = arith.constant 2.500000e-01 : f32
      %mul3A_22 = vector.broadcast %mul3A_21 : f32 to vector<16xf32>
      %mul3A_23 = arith.mulf %add3A_20, %mul3A_22 : vector<16xf32>
      %get3A_24 = arith.constant 0 : i32
      %get3A_25 = arith.index_cast %get3A_24 : i32 to index
      %get3A_26 = arith.constant 16 : index
      %get3A_27 = tpu.vector_load %arg5[%get3A_25, %get3A_26] {strides = array<i32>} : memref<4x128xf32, #tpu.memory_space<vmem>>, vector<16xf32>,
      %get3A_28 = arith.constant 1 : i32
      %get3A_29 = arith.index_cast %get3A_28 : i32 to index
      %get3A_30 = arith.constant 16 : index
      %get3A_31 = tpu.vector_load %arg5[%get3A_29, %get3A_30] {strides = array<i32>} : memref<4x128xf32, #tpu.memory_space<vmem>>, vector<16xf32>,
      %add3A_32 = arith.addf %get3A_27, %get3A_31 : vector<16xf32>
      %get3A_33 = arith.constant 2 : i32
      %get3A_34 = arith.index_cast %get3A_33 : i32 to index
      %get3A_35 = arith.constant 16 : index
      %get3A_36 = tpu.vector_load %arg5[%get3A_34, %get3A_35] {strides = array<i32>} : memref<4x128xf32, #tpu.memory_space<vmem>>, vector<16xf32>,
      %add3A_37 = arith.addf %add3A_32, %get3A_36 : vector<16xf32>
      %get3A_38 = arith.constant 3 : i32
      %get3A_39 = arith.index_cast %get3A_38 : i32 to index
      %get3A_40 = arith.constant 16 : index
      %get3A_41 = tpu.vector_load %arg5[%get3A_39, %get3A_40] {strides = array<i32>} : memref<4x128xf32, #tpu.memory_space<vmem>>, vector<16xf32>,
      %add3A_42 = arith.addf %add3A_37, %get3A_41 : vector<16xf32>
      %mul3A_43 = arith.constant 2.500000e-01 : f32
      %mul3A_44 = vector.broadcast %mul3A_43 : f32 to vector<16xf32>
      %mul3A_45 = arith.mulf %add3A_42, %mul3A_44 : vector<16xf32>
      %get3A_46 = arith.constant 0 : i32
      %get3A_47 = arith.index_cast %get3A_46 : i32 to index
      %get3A_48 = arith.constant 32 : index
      %get3A_49 = tpu.vector_load %arg5[%get3A_47, %get3A_48] {strides = array<i32>} : memref<4x128xf32, #tpu.memory_space<vmem>>, vector<16xf32>,
      %get3A_50 = arith.constant 1 : i32
      %get3A_51 = arith.index_cast %get3A_50 : i32 to index
      %get3A_52 = arith.constant 32 : index
      %get3A_53 = tpu.vector_load %arg5[%get3A_51, %get3A_52] {strides = array<i32>} : memref<4x128xf32, #tpu.memory_space<vmem>>, vector<16xf32>,
      %add3A_54 = arith.addf %get3A_49, %get3A_53 : vector<16xf32>
      %get3A_55 = arith.constant 2 : i32
      %get3A_56 = arith.index_cast %get3A_55 : i32 to index
      %get3A_57 = arith.constant 32 : index
      %get3A_58 = tpu.vector_load %arg5[%get3A_56, %get3A_57] {strides = array<i32>} : memref<4x128xf32, #tpu.memory_space<vmem>>, vector<16xf32>,
      %add3A_59 = arith.addf %add3A_54, %get3A_58 : vector<16xf32>
      %get3A_60 = arith.constant 3 : i32
      %get3A_61 = arith.index_cast %get3A_60 : i32 to index
      %get3A_62 = arith.constant 32 : index
      %get3A_63 = tpu.vector_load %arg5[%get3A_61, %get3A_62] {strides = array<i32>} : memref<4x128xf32, #tpu.memory_space<vmem>>, vector<16xf32>,
      %add3A_64 = arith.addf %add3A_59, %get3A_63 : vector<16xf32>
      %mul3A_65 = arith.constant 2.500000e-01 : f32
      %mul3A_66 = vector.broadcast %mul3A_65 : f32 to vector<16xf32>
      %mul3A_67 = arith.mulf %add3A_64, %mul3A_66 : vector<16xf32>
      %get3A_68 = arith.constant 0 : i32
      %get3A_69 = arith.index_cast %get3A_68 : i32 to index
      %get3A_70 = arith.constant 48 : index
      %get3A_71 = tpu.vector_load %arg5[%get3A_69, %get3A_70] {strides = array<i32>} : memref<4x128xf32, #tpu.memory_space<vmem>>, vector<16xf32>,
      %get3A_72 = arith.constant 1 : i32
      %get3A_73 = arith.index_cast %get3A_72 : i32 to index
      %get3A_74 = arith.constant 48 : index
      %get3A_75 = tpu.vector_load %arg5[%get3A_73, %get3A_74] {strides = array<i32>} : memref<4x128xf32, #tpu.memory_space<vmem>>, vector<16xf32>,
      %add3A_76 = arith.addf %get3A_71, %get3A_75 : vector<16xf32>
      %get3A_77 = arith.constant 2 : i32
      %get3A_78 = arith.index_cast %get3A_77 : i32 to index
      %get3A_79 = arith.constant 48 : index
      %get3A_80 = tpu.vector_load %arg5[%get3A_78, %get3A_79] {strides = array<i32>} : memref<4x128xf32, #tpu.memory_space<vmem>>, vector<16xf32>,
      %add3A_81 = arith.addf %add3A_76, %get3A_80 : vector<16xf32>
      %get3A_82 = arith.constant 3 : i32
      %get3A_83 = arith.index_cast %get3A_82 : i32 to index
      %get3A_84 = arith.constant 48 : index
      %get3A_85 = tpu.vector_load %arg5[%get3A_83, %get3A_84] {strides = array<i32>} : memref<4x128xf32, #tpu.memory_space<vmem>>, vector<16xf32>,
      %add3A_86 = arith.addf %add3A_81, %get3A_85 : vector<16xf32>
      %mul3A_87 = arith.constant 2.500000e-01 : f32
      %mul3A_88 = vector.broadcast %mul3A_87 : f32 to vector<16xf32>
      %mul3A_89 = arith.mulf %add3A_86, %mul3A_88 : vector<16xf32>
      %get3A_90 = arith.constant 0 : i32
      %get3A_91 = arith.index_cast %get3A_90 : i32 to index
      %get3A_92 = arith.constant 64 : index
      %get3A_93 = tpu.vector_load %arg5[%get3A_91, %get3A_92] {strides = array<i32>} : memref<4x128xf32, #tpu.memory_space<vmem>>, vector<16xf32>,
      %get3A_94 = arith.constant 1 : i32
      %get3A_95 = arith.index_cast %get3A_94 : i32 to index
      %get3A_96 = arith.constant 64 : index
      %get3A_97 = tpu.vector_load %arg5[%get3A_95, %get3A_96] {strides = array<i32>} : memref<4x128xf32, #tpu.memory_space<vmem>>, vector<16xf32>,
      %add3A_98 = arith.addf %get3A_93, %get3A_97 : vector<16xf32>
      %get3A_99 = arith.constant 2 : i32
      %get3A_100 = arith.index_cast %get3A_99 : i32 to index
      %get3A_101 = arith.constant 64 : index
      %get3A_102 = tpu.vector_load %arg5[%get3A_100, %get3A_101] {strides = array<i32>} : memref<4x128xf32, #tpu.memory_space<vmem>>, vector<16xf32>,
      %add3A_103 = arith.addf %add3A_98, %get3A_102 : vector<16xf32>
      %get3A_104 = arith.constant 3 : i32
      %get3A_105 = arith.index_cast %get3A_104 : i32 to index
      %get3A_106 = arith.constant 64 : index
      %get3A_107 = tpu.vector_load %arg5[%get3A_105, %get3A_106] {strides = array<i32>} : memref<4x128xf32, #tpu.memory_space<vmem>>, vector<16xf32>,
      %add3A_108 = arith.addf %add3A_103, %get3A_107 : vector<16xf32>
      %mul3A_109 = arith.constant 2.500000e-01 : f32
      %mul3A_110 = vector.broadcast %mul3A_109 : f32 to vector<16xf32>
      %mul3A_111 = arith.mulf %add3A_108, %mul3A_110 : vector<16xf32>
      %get3A_112 = arith.constant 0 : i32
      %get3A_113 = arith.index_cast %get3A_112 : i32 to index
      %get3A_114 = arith.constant 80 : index
      %get3A_115 = tpu.vector_load %arg5[%get3A_113, %get3A_114] {strides = array<i32>} : memref<4x128xf32, #tpu.memory_space<vmem>>, vector<16xf32>,
      %get3A_116 = arith.constant 1 : i32
      %get3A_117 = arith.index_cast %get3A_116 : i32 to index
      %get3A_118 = arith.constant 80 : index
      %get3A_119 = tpu.vector_load %arg5[%get3A_117, %get3A_118] {strides = array<i32>} : memref<4x128xf32, #tpu.memory_space<vmem>>, vector<16xf32>,
      %add3A_120 = arith.addf %get3A_115, %get3A_119 : vector<16xf32>
      %get3A_121 = arith.constant 2 : i32
      %get3A_122 = arith.index_cast %get3A_121 : i32 to index
      %get3A_123 = arith.constant 80 : index
      %get3A_124 = tpu.vector_load %arg5[%get3A_122, %get3A_123] {strides = array<i32>} : memref<4x128xf32, #tpu.memory_space<vmem>>, vector<16xf32>,
      %add3A_125 = arith.addf %add3A_120, %get3A_124 : vector<16xf32>
      %get3A_126 = arith.constant 3 : i32
      %get3A_127 = arith.index_cast %get3A_126 : i32 to index
      %get3A_128 = arith.constant 80 : index
      %get3A_129 = tpu.vector_load %arg5[%get3A_127, %get3A_128] {strides = array<i32>} : memref<4x128xf32, #tpu.memory_space<vmem>>, vector<16xf32>,
      %add3A_130 = arith.addf %add3A_125, %get3A_129 : vector<16xf32>
      %mul3A_131 = arith.constant 2.500000e-01 : f32
      %mul3A_132 = vector.broadcast %mul3A_131 : f32 to vector<16xf32>
      %mul3A_133 = arith.mulf %add3A_130, %mul3A_132 : vector<16xf32>
      %get3A_134 = arith.constant 0 : i32
      %get3A_135 = arith.index_cast %get3A_134 : i32 to index
      %get3A_136 = arith.constant 96 : index
      %get3A_137 = tpu.vector_load %arg5[%get3A_135, %get3A_136] {strides = array<i32>} : memref<4x128xf32, #tpu.memory_space<vmem>>, vector<16xf32>,
      %get3A_138 = arith.constant 1 : i32
      %get3A_139 = arith.index_cast %get3A_138 : i32 to index
      %get3A_140 = arith.constant 96 : index
      %get3A_141 = tpu.vector_load %arg5[%get3A_139, %get3A_140] {strides = array<i32>} : memref<4x128xf32, #tpu.memory_space<vmem>>, vector<16xf32>,
      %add3A_142 = arith.addf %get3A_137, %get3A_141 : vector<16xf32>
      %get3A_143 = arith.constant 2 : i32
      %get3A_144 = arith.index_cast %get3A_143 : i32 to index
      %get3A_145 = arith.constant 96 : index
      %get3A_146 = tpu.vector_load %arg5[%get3A_144, %get3A_145] {strides = array<i32>} : memref<4x128xf32, #tpu.memory_space<vmem>>, vector<16xf32>,
      %add3A_147 = arith.addf %add3A_142, %get3A_146 : vector<16xf32>
      %get3A_148 = arith.constant 3 : i32
      %get3A_149 = arith.index_cast %get3A_148 : i32 to index
      %get3A_150 = arith.constant 96 : index
      %get3A_151 = tpu.vector_load %arg5[%get3A_149, %get3A_150] {strides = array<i32>} : memref<4x128xf32, #tpu.memory_space<vmem>>, vector<16xf32>,
      %add3A_152 = arith.addf %add3A_147, %get3A_151 : vector<16xf32>
      %mul3A_153 = arith.constant 2.500000e-01 : f32
      %mul3A_154 = vector.broadcast %mul3A_153 : f32 to vector<16xf32>
      %mul3A_155 = arith.mulf %add3A_152, %mul3A_154 : vector<16xf32>
      %get3A_156 = arith.constant 0 : i32
      %get3A_157 = arith.index_cast %get3A_156 : i32 to index
      %get3A_158 = arith.constant 112 : index
      %get3A_159 = tpu.vector_load %arg5[%get3A_157, %get3A_158] {strides = array<i32>} : memref<4x128xf32, #tpu.memory_space<vmem>>, vector<16xf32>,
      %get3A_160 = arith.constant 1 : i32
      %get3A_161 = arith.index_cast %get3A_160 : i32 to index
      %get3A_162 = arith.constant 112 : index
      %get3A_163 = tpu.vector_load %arg5[%get3A_161, %get3A_162] {strides = array<i32>} : memref<4x128xf32, #tpu.memory_space<vmem>>, vector<16xf32>,
      %add3A_164 = arith.addf %get3A_159, %get3A_163 : vector<16xf32>
      %get3A_165 = arith.constant 2 : i32
      %get3A_166 = arith.index_cast %get3A_165 : i32 to index
      %get3A_167 = arith.constant 112 : index
      %get3A_168 = tpu.vector_load %arg5[%get3A_166, %get3A_167] {strides = array<i32>} : memref<4x128xf32, #tpu.memory_space<vmem>>, vector<16xf32>,
      %add3A_169 = arith.addf %add3A_164, %get3A_168 : vector<16xf32>
      %get3A_170 = arith.constant 3 : i32
      %get3A_171 = arith.index_cast %get3A_170 : i32 to index
      %get3A_172 = arith.constant 112 : index
      %get3A_173 = tpu.vector_load %arg5[%get3A_171, %get3A_172] {strides = array<i32>} : memref<4x128xf32, #tpu.memory_space<vmem>>, vector<16xf32>,
      %add3A_174 = arith.addf %add3A_169, %get3A_173 : vector<16xf32>
      %mul3A_175 = arith.constant 2.500000e-01 : f32
      %mul3A_176 = vector.broadcast %mul3A_175 : f32 to vector<16xf32>
      %mul3A_177 = arith.mulf %add3A_174, %mul3A_176 : vector<16xf32>
      %broadcast_in_dim3A = arith.constant 0 : i32
      %broadcast_in_dim3A_178 = vector.broadcast %broadcast_in_dim3A : i32 to vector<16xi32>
      %broadcast_in_dim3A_179 = arith.constant 0 : i32
      %broadcast_in_dim3A_180 = vector.broadcast %broadcast_in_dim3A_179 : i32 to vector<16xi32>
      %broadcast_in_dim3A_181 = arith.constant 0 : i32
      %broadcast_in_dim3A_182 = vector.broadcast %broadcast_in_dim3A_181 : i32 to vector<16xi32>
      %broadcast_in_dim3A_183 = arith.constant 0 : i32
      %broadcast_in_dim3A_184 = vector.broadcast %broadcast_in_dim3A_183 : i32 to vector<16xi32>
      %broadcast_in_dim3A_185 = arith.constant 0 : i32
      %broadcast_in_dim3A_186 = vector.broadcast %broadcast_in_dim3A_185 : i32 to vector<16xi32>
      %broadcast_in_dim3A_187 = arith.constant 0 : i32
      %broadcast_in_dim3A_188 = vector.broadcast %broadcast_in_dim3A_187 : i32 to vector<16xi32>
      %broadcast_in_dim3A_189 = arith.constant 0 : i32
      %broadcast_in_dim3A_190 = vector.broadcast %broadcast_in_dim3A_189 : i32 to vector<16xi32>
      %broadcast_in_dim3A_191 = arith.constant 0 : i32
      %broadcast_in_dim3A_192 = vector.broadcast %broadcast_in_dim3A_191 : i32 to vector<16xi32>
      %scan3A = arith.constant 0 : i32
      %scan3A_193 = arith.constant 16 : i32
      %scan3A_194 = arith.addi %scan3A, %scan3A_193 : i32
      %scan3A_195 = arith.constant 1 : i32
      %scan3A_196:8 = scf.for %scan3A_271 = %scan3A to %scan3A_194 step %scan3A_195 iter_args(%scan3A_272 = %broadcast_in_dim3A_178, %scan3A_273 = %broadcast_in_dim3A_180, %scan3A_274 = %broadcast_in_dim3A_182, %scan3A_275 = %broadcast_in_dim3A_184, %scan3A_276 = %broadcast_in_dim3A_186, %scan3A_277 = %broadcast_in_dim3A_188, %scan3A_278 = %broadcast_in_dim3A_190, %scan3A_279 = %broadcast_in_dim3A_192) -> (vector<16xi32>, vector<16xi32>, vector<16xi32>, vector<16xi32>, vector<16xi32>, vector<16xi32>, vector<16xi32>, vector<16xi32>)  : i32 {
        %broadcast_in_dim3A_280 = vector.broadcast %scan3A_271 : i32 to vector<16x1xi32>
        %gather3A = vector.shape_cast %broadcast_in_dim3A_280 : vector<16x1xi32> to vector<16xi32>
        %gather3A_281 = tpu.dynamic_gather %mul3A_23[%gather3A] in [0] : vector<16xf32>, vector<16xi32> -> vector<16xf32>
        %add3A_282 = arith.constant 0 : i32
        %add3A_283 = arith.addi %add3A_282, %scan3A_271 : i32
        %iota3A_284 = tpu.iota {dimensions = array<i32: 0>} : vector<16xi32>
        %add3A_285 = arith.constant 0 : i32
        %add3A_286 = vector.broadcast %add3A_285 : i32 to vector<16xi32>
        %add3A_287 = arith.addi %iota3A_284, %add3A_286 : vector<16xi32>
        %gt3A = arith.cmpf ogt, %gather3A_281, %mul3A_23 : vector<16xf32>
        %convert_element_type3A_288 = arith.extui %gt3A : vector<16xi1> to vector<16xi32>
        %eq3A_289 = arith.cmpf oeq, %gather3A_281, %mul3A_23 : vector<16xf32>
        %lt3A = vector.broadcast %add3A_283 : i32 to vector<16xi32>
        %lt3A_290 = arith.cmpi slt, %lt3A, %add3A_287 : vector<16xi32>
        %and3A = arith.andi %eq3A_289, %lt3A_290 : vector<16xi1>
        %convert_element_type3A_291 = arith.extui %and3A : vector<16xi1> to vector<16xi32>
        %add3A_292 = arith.addi %scan3A_272, %convert_element_type3A_288 : vector<16xi32>
        %add3A_293 = arith.addi %add3A_292, %convert_element_type3A_291 : vector<16xi32>
        %iota3A_294 = tpu.iota {dimensions = array<i32: 0>} : vector<16xi32>
        %add3A_295 = arith.constant 16 : i32
        %add3A_296 = vector.broadcast %add3A_295 : i32 to vector<16xi32>
        %add3A_297 = arith.addi %iota3A_294, %add3A_296 : vector<16xi32>
        %gt3A_298 = arith.cmpf ogt, %gather3A_281, %mul3A_45 : vector<16xf32>
        %convert_element_type3A_299 = arith.extui %gt3A_298 : vector<16xi1> to vector<16xi32>
        %eq3A_300 = arith.cmpf oeq, %gather3A_281, %mul3A_45 : vector<16xf32>
        %lt3A_301 = vector.broadcast %add3A_283 : i32 to vector<16xi32>
        %lt3A_302 = arith.cmpi slt, %lt3A_301, %add3A_297 : vector<16xi32>
        %and3A_303 = arith.andi %eq3A_300, %lt3A_302 : vector<16xi1>
        %convert_element_type3A_304 = arith.extui %and3A_303 : vector<16xi1> to vector<16xi32>
        %add3A_305 = arith.addi %scan3A_273, %convert_element_type3A_299 : vector<16xi32>
        %add3A_306 = arith.addi %add3A_305, %convert_element_type3A_304 : vector<16xi32>
        %iota3A_307 = tpu.iota {dimensions = array<i32: 0>} : vector<16xi32>
        %add3A_308 = arith.constant 32 : i32
        %add3A_309 = vector.broadcast %add3A_308 : i32 to vector<16xi32>
        %add3A_310 = arith.addi %iota3A_307, %add3A_309 : vector<16xi32>
        %gt3A_311 = arith.cmpf ogt, %gather3A_281, %mul3A_67 : vector<16xf32>
        %convert_element_type3A_312 = arith.extui %gt3A_311 : vector<16xi1> to vector<16xi32>
        %eq3A_313 = arith.cmpf oeq, %gather3A_281, %mul3A_67 : vector<16xf32>
        %lt3A_314 = vector.broadcast %add3A_283 : i32 to vector<16xi32>
        %lt3A_315 = arith.cmpi slt, %lt3A_314, %add3A_310 : vector<16xi32>
        %and3A_316 = arith.andi %eq3A_313, %lt3A_315 : vector<16xi1>
        %convert_element_type3A_317 = arith.extui %and3A_316 : vector<16xi1> to vector<16xi32>
        %add3A_318 = arith.addi %scan3A_274, %convert_element_type3A_312 : vector<16xi32>
        %add3A_319 = arith.addi %add3A_318, %convert_element_type3A_317 : vector<16xi32>
        %iota3A_320 = tpu.iota {dimensions = array<i32: 0>} : vector<16xi32>
        %add3A_321 = arith.constant 48 : i32
        %add3A_322 = vector.broadcast %add3A_321 : i32 to vector<16xi32>
        %add3A_323 = arith.addi %iota3A_320, %add3A_322 : vector<16xi32>
        %gt3A_324 = arith.cmpf ogt, %gather3A_281, %mul3A_89 : vector<16xf32>
        %convert_element_type3A_325 = arith.extui %gt3A_324 : vector<16xi1> to vector<16xi32>
        %eq3A_326 = arith.cmpf oeq, %gather3A_281, %mul3A_89 : vector<16xf32>
        %lt3A_327 = vector.broadcast %add3A_283 : i32 to vector<16xi32>
        %lt3A_328 = arith.cmpi slt, %lt3A_327, %add3A_323 : vector<16xi32>
        %and3A_329 = arith.andi %eq3A_326, %lt3A_328 : vector<16xi1>
        %convert_element_type3A_330 = arith.extui %and3A_329 : vector<16xi1> to vector<16xi32>
        %add3A_331 = arith.addi %scan3A_275, %convert_element_type3A_325 : vector<16xi32>
        %add3A_332 = arith.addi %add3A_331, %convert_element_type3A_330 : vector<16xi32>
        %iota3A_333 = tpu.iota {dimensions = array<i32: 0>} : vector<16xi32>
        %add3A_334 = arith.constant 64 : i32
        %add3A_335 = vector.broadcast %add3A_334 : i32 to vector<16xi32>
        %add3A_336 = arith.addi %iota3A_333, %add3A_335 : vector<16xi32>
        %gt3A_337 = arith.cmpf ogt, %gather3A_281, %mul3A_111 : vector<16xf32>
        %convert_element_type3A_338 = arith.extui %gt3A_337 : vector<16xi1> to vector<16xi32>
        %eq3A_339 = arith.cmpf oeq, %gather3A_281, %mul3A_111 : vector<16xf32>
        %lt3A_340 = vector.broadcast %add3A_283 : i32 to vector<16xi32>
        %lt3A_341 = arith.cmpi slt, %lt3A_340, %add3A_336 : vector<16xi32>
        %and3A_342 = arith.andi %eq3A_339, %lt3A_341 : vector<16xi1>
        %convert_element_type3A_343 = arith.extui %and3A_342 : vector<16xi1> to vector<16xi32>
        %add3A_344 = arith.addi %scan3A_276, %convert_element_type3A_338 : vector<16xi32>
        %add3A_345 = arith.addi %add3A_344, %convert_element_type3A_343 : vector<16xi32>
        %iota3A_346 = tpu.iota {dimensions = array<i32: 0>} : vector<16xi32>
        %add3A_347 = arith.constant 80 : i32
        %add3A_348 = vector.broadcast %add3A_347 : i32 to vector<16xi32>
        %add3A_349 = arith.addi %iota3A_346, %add3A_348 : vector<16xi32>
        %gt3A_350 = arith.cmpf ogt, %gather3A_281, %mul3A_133 : vector<16xf32>
        %convert_element_type3A_351 = arith.extui %gt3A_350 : vector<16xi1> to vector<16xi32>
        %eq3A_352 = arith.cmpf oeq, %gather3A_281, %mul3A_133 : vector<16xf32>
        %lt3A_353 = vector.broadcast %add3A_283 : i32 to vector<16xi32>
        %lt3A_354 = arith.cmpi slt, %lt3A_353, %add3A_349 : vector<16xi32>
        %and3A_355 = arith.andi %eq3A_352, %lt3A_354 : vector<16xi1>
        %convert_element_type3A_356 = arith.extui %and3A_355 : vector<16xi1> to vector<16xi32>
        %add3A_357 = arith.addi %scan3A_277, %convert_element_type3A_351 : vector<16xi32>
        %add3A_358 = arith.addi %add3A_357, %convert_element_type3A_356 : vector<16xi32>
        %iota3A_359 = tpu.iota {dimensions = array<i32: 0>} : vector<16xi32>
        %add3A_360 = arith.constant 96 : i32
        %add3A_361 = vector.broadcast %add3A_360 : i32 to vector<16xi32>
        %add3A_362 = arith.addi %iota3A_359, %add3A_361 : vector<16xi32>
        %gt3A_363 = arith.cmpf ogt, %gather3A_281, %mul3A_155 : vector<16xf32>
        %convert_element_type3A_364 = arith.extui %gt3A_363 : vector<16xi1> to vector<16xi32>
        %eq3A_365 = arith.cmpf oeq, %gather3A_281, %mul3A_155 : vector<16xf32>
        %lt3A_366 = vector.broadcast %add3A_283 : i32 to vector<16xi32>
        %lt3A_367 = arith.cmpi slt, %lt3A_366, %add3A_362 : vector<16xi32>
        %and3A_368 = arith.andi %eq3A_365, %lt3A_367 : vector<16xi1>
        %convert_element_type3A_369 = arith.extui %and3A_368 : vector<16xi1> to vector<16xi32>
        %add3A_370 = arith.addi %scan3A_278, %convert_element_type3A_364 : vector<16xi32>
        %add3A_371 = arith.addi %add3A_370, %convert_element_type3A_369 : vector<16xi32>
        %iota3A_372 = tpu.iota {dimensions = array<i32: 0>} : vector<16xi32>
        %add3A_373 = arith.constant 112 : i32
        %add3A_374 = vector.broadcast %add3A_373 : i32 to vector<16xi32>
        %add3A_375 = arith.addi %iota3A_372, %add3A_374 : vector<16xi32>
        %gt3A_376 = arith.cmpf ogt, %gather3A_281, %mul3A_177 : vector<16xf32>
        %convert_element_type3A_377 = arith.extui %gt3A_376 : vector<16xi1> to vector<16xi32>
        %eq3A_378 = arith.cmpf oeq, %gather3A_281, %mul3A_177 : vector<16xf32>
        %lt3A_379 = vector.broadcast %add3A_283 : i32 to vector<16xi32>
        %lt3A_380 = arith.cmpi slt, %lt3A_379, %add3A_375 : vector<16xi32>
        %and3A_381 = arith.andi %eq3A_378, %lt3A_380 : vector<16xi1>
        %convert_element_type3A_382 = arith.extui %and3A_381 : vector<16xi1> to vector<16xi32>
        %add3A_383 = arith.addi %scan3A_279, %convert_element_type3A_377 : vector<16xi32>
        %add3A_384 = arith.addi %add3A_383, %convert_element_type3A_382 : vector<16xi32>
        scf.yield %add3A_293, %add3A_306, %add3A_319, %add3A_332, %add3A_345, %add3A_358, %add3A_371, %add3A_384 : vector<16xi32>, vector<16xi32>, vector<16xi32>, vector<16xi32>, vector<16xi32>, vector<16xi32>, vector<16xi32>, vector<16xi32>
      }
      %scan3A_197 = arith.constant 16 : i32
      %scan3A_198 = arith.constant 0 : i32
      %scan3A_199 = arith.constant 16 : i32
      %scan3A_200 = arith.addi %scan3A_198, %scan3A_199 : i32
      %scan3A_201 = arith.constant 1 : i32
      %scan3A_202:8 = scf.for %scan3A_271 = %scan3A_198 to %scan3A_200 step %scan3A_201 iter_args(%scan3A_272 = %scan3A_196#0, %scan3A_273 = %scan3A_196#1, %scan3A_274 = %scan3A_196#2, %scan3A_275 = %scan3A_196#3, %scan3A_276 = %scan3A_196#4, %scan3A_277 = %scan3A_196#5, %scan3A_278 = %scan3A_196#6, %scan3A_279 = %scan3A_196#7) -> (vector<16xi32>, vector<16xi32>, vector<16xi32>, vector<16xi32>, vector<16xi32>, vector<16xi32>, vector<16xi32>, vector<16xi32>)  : i32 {
        %broadcast_in_dim3A_280 = vector.broadcast %scan3A_271 : i32 to vector<16x1xi32>
        %gather3A = vector.shape_cast %broadcast_in_dim3A_280 : vector<16x1xi32> to vector<16xi32>
        %gather3A_281 = tpu.dynamic_gather %mul3A_45[%gather3A] in [0] : vector<16xf32>, vector<16xi32> -> vector<16xf32>
        %add3A_282 = arith.constant 16 : i32
        %add3A_283 = arith.addi %add3A_282, %scan3A_271 : i32
        %iota3A_284 = tpu.iota {dimensions = array<i32: 0>} : vector<16xi32>
        %add3A_285 = arith.constant 0 : i32
        %add3A_286 = vector.broadcast %add3A_285 : i32 to vector<16xi32>
        %add3A_287 = arith.addi %iota3A_284, %add3A_286 : vector<16xi32>
        %gt3A = arith.cmpf ogt, %gather3A_281, %mul3A_23 : vector<16xf32>
        %convert_element_type3A_288 = arith.extui %gt3A : vector<16xi1> to vector<16xi32>
        %eq3A_289 = arith.cmpf oeq, %gather3A_281, %mul3A_23 : vector<16xf32>
        %lt3A = vector.broadcast %add3A_283 : i32 to vector<16xi32>
        %lt3A_290 = arith.cmpi slt, %lt3A, %add3A_287 : vector<16xi32>
        %and3A = arith.andi %eq3A_289, %lt3A_290 : vector<16xi1>
        %convert_element_type3A_291 = arith.extui %and3A : vector<16xi1> to vector<16xi32>
        %add3A_292 = arith.addi %scan3A_272, %convert_element_type3A_288 : vector<16xi32>
        %add3A_293 = arith.addi %add3A_292, %convert_element_type3A_291 : vector<16xi32>
        %iota3A_294 = tpu.iota {dimensions = array<i32: 0>} : vector<16xi32>
        %add3A_295 = arith.constant 16 : i32
        %add3A_296 = vector.broadcast %add3A_295 : i32 to vector<16xi32>
        %add3A_297 = arith.addi %iota3A_294, %add3A_296 : vector<16xi32>
        %gt3A_298 = arith.cmpf ogt, %gather3A_281, %mul3A_45 : vector<16xf32>
        %convert_element_type3A_299 = arith.extui %gt3A_298 : vector<16xi1> to vector<16xi32>
        %eq3A_300 = arith.cmpf oeq, %gather3A_281, %mul3A_45 : vector<16xf32>
        %lt3A_301 = vector.broadcast %add3A_283 : i32 to vector<16xi32>
        %lt3A_302 = arith.cmpi slt, %lt3A_301, %add3A_297 : vector<16xi32>
        %and3A_303 = arith.andi %eq3A_300, %lt3A_302 : vector<16xi1>
        %convert_element_type3A_304 = arith.extui %and3A_303 : vector<16xi1> to vector<16xi32>
        %add3A_305 = arith.addi %scan3A_273, %convert_element_type3A_299 : vector<16xi32>
        %add3A_306 = arith.addi %add3A_305, %convert_element_type3A_304 : vector<16xi32>
        %iota3A_307 = tpu.iota {dimensions = array<i32: 0>} : vector<16xi32>
        %add3A_308 = arith.constant 32 : i32
        %add3A_309 = vector.broadcast %add3A_308 : i32 to vector<16xi32>
        %add3A_310 = arith.addi %iota3A_307, %add3A_309 : vector<16xi32>
        %gt3A_311 = arith.cmpf ogt, %gather3A_281, %mul3A_67 : vector<16xf32>
        %convert_element_type3A_312 = arith.extui %gt3A_311 : vector<16xi1> to vector<16xi32>
        %eq3A_313 = arith.cmpf oeq, %gather3A_281, %mul3A_67 : vector<16xf32>
        %lt3A_314 = vector.broadcast %add3A_283 : i32 to vector<16xi32>
        %lt3A_315 = arith.cmpi slt, %lt3A_314, %add3A_310 : vector<16xi32>
        %and3A_316 = arith.andi %eq3A_313, %lt3A_315 : vector<16xi1>
        %convert_element_type3A_317 = arith.extui %and3A_316 : vector<16xi1> to vector<16xi32>
        %add3A_318 = arith.addi %scan3A_274, %convert_element_type3A_312 : vector<16xi32>
        %add3A_319 = arith.addi %add3A_318, %convert_element_type3A_317 : vector<16xi32>
        %iota3A_320 = tpu.iota {dimensions = array<i32: 0>} : vector<16xi32>
        %add3A_321 = arith.constant 48 : i32
        %add3A_322 = vector.broadcast %add3A_321 : i32 to vector<16xi32>
        %add3A_323 = arith.addi %iota3A_320, %add3A_322 : vector<16xi32>
        %gt3A_324 = arith.cmpf ogt, %gather3A_281, %mul3A_89 : vector<16xf32>
        %convert_element_type3A_325 = arith.extui %gt3A_324 : vector<16xi1> to vector<16xi32>
        %eq3A_326 = arith.cmpf oeq, %gather3A_281, %mul3A_89 : vector<16xf32>
        %lt3A_327 = vector.broadcast %add3A_283 : i32 to vector<16xi32>
        %lt3A_328 = arith.cmpi slt, %lt3A_327, %add3A_323 : vector<16xi32>
        %and3A_329 = arith.andi %eq3A_326, %lt3A_328 : vector<16xi1>
        %convert_element_type3A_330 = arith.extui %and3A_329 : vector<16xi1> to vector<16xi32>
        %add3A_331 = arith.addi %scan3A_275, %convert_element_type3A_325 : vector<16xi32>
        %add3A_332 = arith.addi %add3A_331, %convert_element_type3A_330 : vector<16xi32>
        %iota3A_333 = tpu.iota {dimensions = array<i32: 0>} : vector<16xi32>
        %add3A_334 = arith.constant 64 : i32
        %add3A_335 = vector.broadcast %add3A_334 : i32 to vector<16xi32>
        %add3A_336 = arith.addi %iota3A_333, %add3A_335 : vector<16xi32>
        %gt3A_337 = arith.cmpf ogt, %gather3A_281, %mul3A_111 : vector<16xf32>
        %convert_element_type3A_338 = arith.extui %gt3A_337 : vector<16xi1> to vector<16xi32>
        %eq3A_339 = arith.cmpf oeq, %gather3A_281, %mul3A_111 : vector<16xf32>
        %lt3A_340 = vector.broadcast %add3A_283 : i32 to vector<16xi32>
        %lt3A_341 = arith.cmpi slt, %lt3A_340, %add3A_336 : vector<16xi32>
        %and3A_342 = arith.andi %eq3A_339, %lt3A_341 : vector<16xi1>
        %convert_element_type3A_343 = arith.extui %and3A_342 : vector<16xi1> to vector<16xi32>
        %add3A_344 = arith.addi %scan3A_276, %convert_element_type3A_338 : vector<16xi32>
        %add3A_345 = arith.addi %add3A_344, %convert_element_type3A_343 : vector<16xi32>
        %iota3A_346 = tpu.iota {dimensions = array<i32: 0>} : vector<16xi32>
        %add3A_347 = arith.constant 80 : i32
        %add3A_348 = vector.broadcast %add3A_347 : i32 to vector<16xi32>
        %add3A_349 = arith.addi %iota3A_346, %add3A_348 : vector<16xi32>
        %gt3A_350 = arith.cmpf ogt, %gather3A_281, %mul3A_133 : vector<16xf32>
        %convert_element_type3A_351 = arith.extui %gt3A_350 : vector<16xi1> to vector<16xi32>
        %eq3A_352 = arith.cmpf oeq, %gather3A_281, %mul3A_133 : vector<16xf32>
        %lt3A_353 = vector.broadcast %add3A_283 : i32 to vector<16xi32>
        %lt3A_354 = arith.cmpi slt, %lt3A_353, %add3A_349 : vector<16xi32>
        %and3A_355 = arith.andi %eq3A_352, %lt3A_354 : vector<16xi1>
        %convert_element_type3A_356 = arith.extui %and3A_355 : vector<16xi1> to vector<16xi32>
        %add3A_357 = arith.addi %scan3A_277, %convert_element_type3A_351 : vector<16xi32>
        %add3A_358 = arith.addi %add3A_357, %convert_element_type3A_356 : vector<16xi32>
        %iota3A_359 = tpu.iota {dimensions = array<i32: 0>} : vector<16xi32>
        %add3A_360 = arith.constant 96 : i32
        %add3A_361 = vector.broadcast %add3A_360 : i32 to vector<16xi32>
        %add3A_362 = arith.addi %iota3A_359, %add3A_361 : vector<16xi32>
        %gt3A_363 = arith.cmpf ogt, %gather3A_281, %mul3A_155 : vector<16xf32>
        %convert_element_type3A_364 = arith.extui %gt3A_363 : vector<16xi1> to vector<16xi32>
        %eq3A_365 = arith.cmpf oeq, %gather3A_281, %mul3A_155 : vector<16xf32>
        %lt3A_366 = vector.broadcast %add3A_283 : i32 to vector<16xi32>
        %lt3A_367 = arith.cmpi slt, %lt3A_366, %add3A_362 : vector<16xi32>
        %and3A_368 = arith.andi %eq3A_365, %lt3A_367 : vector<16xi1>
        %convert_element_type3A_369 = arith.extui %and3A_368 : vector<16xi1> to vector<16xi32>
        %add3A_370 = arith.addi %scan3A_278, %convert_element_type3A_364 : vector<16xi32>
        %add3A_371 = arith.addi %add3A_370, %convert_element_type3A_369 : vector<16xi32>
        %iota3A_372 = tpu.iota {dimensions = array<i32: 0>} : vector<16xi32>
        %add3A_373 = arith.constant 112 : i32
        %add3A_374 = vector.broadcast %add3A_373 : i32 to vector<16xi32>
        %add3A_375 = arith.addi %iota3A_372, %add3A_374 : vector<16xi32>
        %gt3A_376 = arith.cmpf ogt, %gather3A_281, %mul3A_177 : vector<16xf32>
        %convert_element_type3A_377 = arith.extui %gt3A_376 : vector<16xi1> to vector<16xi32>
        %eq3A_378 = arith.cmpf oeq, %gather3A_281, %mul3A_177 : vector<16xf32>
        %lt3A_379 = vector.broadcast %add3A_283 : i32 to vector<16xi32>
        %lt3A_380 = arith.cmpi slt, %lt3A_379, %add3A_375 : vector<16xi32>
        %and3A_381 = arith.andi %eq3A_378, %lt3A_380 : vector<16xi1>
        %convert_element_type3A_382 = arith.extui %and3A_381 : vector<16xi1> to vector<16xi32>
        %add3A_383 = arith.addi %scan3A_279, %convert_element_type3A_377 : vector<16xi32>
        %add3A_384 = arith.addi %add3A_383, %convert_element_type3A_382 : vector<16xi32>
        scf.yield %add3A_293, %add3A_306, %add3A_319, %add3A_332, %add3A_345, %add3A_358, %add3A_371, %add3A_384 : vector<16xi32>, vector<16xi32>, vector<16xi32>, vector<16xi32>, vector<16xi32>, vector<16xi32>, vector<16xi32>, vector<16xi32>
      }
      %scan3A_203 = arith.constant 16 : i32
      %scan3A_204 = arith.constant 0 : i32
      %scan3A_205 = arith.constant 16 : i32
      %scan3A_206 = arith.addi %scan3A_204, %scan3A_205 : i32
      %scan3A_207 = arith.constant 1 : i32
      %scan3A_208:8 = scf.for %scan3A_271 = %scan3A_204 to %scan3A_206 step %scan3A_207 iter_args(%scan3A_272 = %scan3A_202#0, %scan3A_273 = %scan3A_202#1, %scan3A_274 = %scan3A_202#2, %scan3A_275 = %scan3A_202#3, %scan3A_276 = %scan3A_202#4, %scan3A_277 = %scan3A_202#5, %scan3A_278 = %scan3A_202#6, %scan3A_279 = %scan3A_202#7) -> (vector<16xi32>, vector<16xi32>, vector<16xi32>, vector<16xi32>, vector<16xi32>, vector<16xi32>, vector<16xi32>, vector<16xi32>)  : i32 {
        %broadcast_in_dim3A_280 = vector.broadcast %scan3A_271 : i32 to vector<16x1xi32>
        %gather3A = vector.shape_cast %broadcast_in_dim3A_280 : vector<16x1xi32> to vector<16xi32>
        %gather3A_281 = tpu.dynamic_gather %mul3A_67[%gather3A] in [0] : vector<16xf32>, vector<16xi32> -> vector<16xf32>
        %add3A_282 = arith.constant 32 : i32
        %add3A_283 = arith.addi %add3A_282, %scan3A_271 : i32
        %iota3A_284 = tpu.iota {dimensions = array<i32: 0>} : vector<16xi32>
        %add3A_285 = arith.constant 0 : i32
        %add3A_286 = vector.broadcast %add3A_285 : i32 to vector<16xi32>
        %add3A_287 = arith.addi %iota3A_284, %add3A_286 : vector<16xi32>
        %gt3A = arith.cmpf ogt, %gather3A_281, %mul3A_23 : vector<16xf32>
        %convert_element_type3A_288 = arith.extui %gt3A : vector<16xi1> to vector<16xi32>
        %eq3A_289 = arith.cmpf oeq, %gather3A_281, %mul3A_23 : vector<16xf32>
        %lt3A = vector.broadcast %add3A_283 : i32 to vector<16xi32>
        %lt3A_290 = arith.cmpi slt, %lt3A, %add3A_287 : vector<16xi32>
        %and3A = arith.andi %eq3A_289, %lt3A_290 : vector<16xi1>
        %convert_element_type3A_291 = arith.extui %and3A : vector<16xi1> to vector<16xi32>
        %add3A_292 = arith.addi %scan3A_272, %convert_element_type3A_288 : vector<16xi32>
        %add3A_293 = arith.addi %add3A_292, %convert_element_type3A_291 : vector<16xi32>
        %iota3A_294 = tpu.iota {dimensions = array<i32: 0>} : vector<16xi32>
        %add3A_295 = arith.constant 16 : i32
        %add3A_296 = vector.broadcast %add3A_295 : i32 to vector<16xi32>
        %add3A_297 = arith.addi %iota3A_294, %add3A_296 : vector<16xi32>
        %gt3A_298 = arith.cmpf ogt, %gather3A_281, %mul3A_45 : vector<16xf32>
        %convert_element_type3A_299 = arith.extui %gt3A_298 : vector<16xi1> to vector<16xi32>
        %eq3A_300 = arith.cmpf oeq, %gather3A_281, %mul3A_45 : vector<16xf32>
        %lt3A_301 = vector.broadcast %add3A_283 : i32 to vector<16xi32>
        %lt3A_302 = arith.cmpi slt, %lt3A_301, %add3A_297 : vector<16xi32>
        %and3A_303 = arith.andi %eq3A_300, %lt3A_302 : vector<16xi1>
        %convert_element_type3A_304 = arith.extui %and3A_303 : vector<16xi1> to vector<16xi32>
        %add3A_305 = arith.addi %scan3A_273, %convert_element_type3A_299 : vector<16xi32>
        %add3A_306 = arith.addi %add3A_305, %convert_element_type3A_304 : vector<16xi32>
        %iota3A_307 = tpu.iota {dimensions = array<i32: 0>} : vector<16xi32>
        %add3A_308 = arith.constant 32 : i32
        %add3A_309 = vector.broadcast %add3A_308 : i32 to vector<16xi32>
        %add3A_310 = arith.addi %iota3A_307, %add3A_309 : vector<16xi32>
        %gt3A_311 = arith.cmpf ogt, %gather3A_281, %mul3A_67 : vector<16xf32>
        %convert_element_type3A_312 = arith.extui %gt3A_311 : vector<16xi1> to vector<16xi32>
        %eq3A_313 = arith.cmpf oeq, %gather3A_281, %mul3A_67 : vector<16xf32>
        %lt3A_314 = vector.broadcast %add3A_283 : i32 to vector<16xi32>
        %lt3A_315 = arith.cmpi slt, %lt3A_314, %add3A_310 : vector<16xi32>
        %and3A_316 = arith.andi %eq3A_313, %lt3A_315 : vector<16xi1>
        %convert_element_type3A_317 = arith.extui %and3A_316 : vector<16xi1> to vector<16xi32>
        %add3A_318 = arith.addi %scan3A_274, %convert_element_type3A_312 : vector<16xi32>
        %add3A_319 = arith.addi %add3A_318, %convert_element_type3A_317 : vector<16xi32>
        %iota3A_320 = tpu.iota {dimensions = array<i32: 0>} : vector<16xi32>
        %add3A_321 = arith.constant 48 : i32
        %add3A_322 = vector.broadcast %add3A_321 : i32 to vector<16xi32>
        %add3A_323 = arith.addi %iota3A_320, %add3A_322 : vector<16xi32>
        %gt3A_324 = arith.cmpf ogt, %gather3A_281, %mul3A_89 : vector<16xf32>
        %convert_element_type3A_325 = arith.extui %gt3A_324 : vector<16xi1> to vector<16xi32>
        %eq3A_326 = arith.cmpf oeq, %gather3A_281, %mul3A_89 : vector<16xf32>
        %lt3A_327 = vector.broadcast %add3A_283 : i32 to vector<16xi32>
        %lt3A_328 = arith.cmpi slt, %lt3A_327, %add3A_323 : vector<16xi32>
        %and3A_329 = arith.andi %eq3A_326, %lt3A_328 : vector<16xi1>
        %convert_element_type3A_330 = arith.extui %and3A_329 : vector<16xi1> to vector<16xi32>
        %add3A_331 = arith.addi %scan3A_275, %convert_element_type3A_325 : vector<16xi32>
        %add3A_332 = arith.addi %add3A_331, %convert_element_type3A_330 : vector<16xi32>
        %iota3A_333 = tpu.iota {dimensions = array<i32: 0>} : vector<16xi32>
        %add3A_334 = arith.constant 64 : i32
        %add3A_335 = vector.broadcast %add3A_334 : i32 to vector<16xi32>
        %add3A_336 = arith.addi %iota3A_333, %add3A_335 : vector<16xi32>
        %gt3A_337 = arith.cmpf ogt, %gather3A_281, %mul3A_111 : vector<16xf32>
        %convert_element_type3A_338 = arith.extui %gt3A_337 : vector<16xi1> to vector<16xi32>
        %eq3A_339 = arith.cmpf oeq, %gather3A_281, %mul3A_111 : vector<16xf32>
        %lt3A_340 = vector.broadcast %add3A_283 : i32 to vector<16xi32>
        %lt3A_341 = arith.cmpi slt, %lt3A_340, %add3A_336 : vector<16xi32>
        %and3A_342 = arith.andi %eq3A_339, %lt3A_341 : vector<16xi1>
        %convert_element_type3A_343 = arith.extui %and3A_342 : vector<16xi1> to vector<16xi32>
        %add3A_344 = arith.addi %scan3A_276, %convert_element_type3A_338 : vector<16xi32>
        %add3A_345 = arith.addi %add3A_344, %convert_element_type3A_343 : vector<16xi32>
        %iota3A_346 = tpu.iota {dimensions = array<i32: 0>} : vector<16xi32>
        %add3A_347 = arith.constant 80 : i32
        %add3A_348 = vector.broadcast %add3A_347 : i32 to vector<16xi32>
        %add3A_349 = arith.addi %iota3A_346, %add3A_348 : vector<16xi32>
        %gt3A_350 = arith.cmpf ogt, %gather3A_281, %mul3A_133 : vector<16xf32>
        %convert_element_type3A_351 = arith.extui %gt3A_350 : vector<16xi1> to vector<16xi32>
        %eq3A_352 = arith.cmpf oeq, %gather3A_281, %mul3A_133 : vector<16xf32>
        %lt3A_353 = vector.broadcast %add3A_283 : i32 to vector<16xi32>
        %lt3A_354 = arith.cmpi slt, %lt3A_353, %add3A_349 : vector<16xi32>
        %and3A_355 = arith.andi %eq3A_352, %lt3A_354 : vector<16xi1>
        %convert_element_type3A_356 = arith.extui %and3A_355 : vector<16xi1> to vector<16xi32>
        %add3A_357 = arith.addi %scan3A_277, %convert_element_type3A_351 : vector<16xi32>
        %add3A_358 = arith.addi %add3A_357, %convert_element_type3A_356 : vector<16xi32>
        %iota3A_359 = tpu.iota {dimensions = array<i32: 0>} : vector<16xi32>
        %add3A_360 = arith.constant 96 : i32
        %add3A_361 = vector.broadcast %add3A_360 : i32 to vector<16xi32>
        %add3A_362 = arith.addi %iota3A_359, %add3A_361 : vector<16xi32>
        %gt3A_363 = arith.cmpf ogt, %gather3A_281, %mul3A_155 : vector<16xf32>
        %convert_element_type3A_364 = arith.extui %gt3A_363 : vector<16xi1> to vector<16xi32>
        %eq3A_365 = arith.cmpf oeq, %gather3A_281, %mul3A_155 : vector<16xf32>
        %lt3A_366 = vector.broadcast %add3A_283 : i32 to vector<16xi32>
        %lt3A_367 = arith.cmpi slt, %lt3A_366, %add3A_362 : vector<16xi32>
        %and3A_368 = arith.andi %eq3A_365, %lt3A_367 : vector<16xi1>
        %convert_element_type3A_369 = arith.extui %and3A_368 : vector<16xi1> to vector<16xi32>
        %add3A_370 = arith.addi %scan3A_278, %convert_element_type3A_364 : vector<16xi32>
        %add3A_371 = arith.addi %add3A_370, %convert_element_type3A_369 : vector<16xi32>
        %iota3A_372 = tpu.iota {dimensions = array<i32: 0>} : vector<16xi32>
        %add3A_373 = arith.constant 112 : i32
        %add3A_374 = vector.broadcast %add3A_373 : i32 to vector<16xi32>
        %add3A_375 = arith.addi %iota3A_372, %add3A_374 : vector<16xi32>
        %gt3A_376 = arith.cmpf ogt, %gather3A_281, %mul3A_177 : vector<16xf32>
        %convert_element_type3A_377 = arith.extui %gt3A_376 : vector<16xi1> to vector<16xi32>
        %eq3A_378 = arith.cmpf oeq, %gather3A_281, %mul3A_177 : vector<16xf32>
        %lt3A_379 = vector.broadcast %add3A_283 : i32 to vector<16xi32>
        %lt3A_380 = arith.cmpi slt, %lt3A_379, %add3A_375 : vector<16xi32>
        %and3A_381 = arith.andi %eq3A_378, %lt3A_380 : vector<16xi1>
        %convert_element_type3A_382 = arith.extui %and3A_381 : vector<16xi1> to vector<16xi32>
        %add3A_383 = arith.addi %scan3A_279, %convert_element_type3A_377 : vector<16xi32>
        %add3A_384 = arith.addi %add3A_383, %convert_element_type3A_382 : vector<16xi32>
        scf.yield %add3A_293, %add3A_306, %add3A_319, %add3A_332, %add3A_345, %add3A_358, %add3A_371, %add3A_384 : vector<16xi32>, vector<16xi32>, vector<16xi32>, vector<16xi32>, vector<16xi32>, vector<16xi32>, vector<16xi32>, vector<16xi32>
      }
      %scan3A_209 = arith.constant 16 : i32
      %scan3A_210 = arith.constant 0 : i32
      %scan3A_211 = arith.constant 16 : i32
      %scan3A_212 = arith.addi %scan3A_210, %scan3A_211 : i32
      %scan3A_213 = arith.constant 1 : i32
      %scan3A_214:8 = scf.for %scan3A_271 = %scan3A_210 to %scan3A_212 step %scan3A_213 iter_args(%scan3A_272 = %scan3A_208#0, %scan3A_273 = %scan3A_208#1, %scan3A_274 = %scan3A_208#2, %scan3A_275 = %scan3A_208#3, %scan3A_276 = %scan3A_208#4, %scan3A_277 = %scan3A_208#5, %scan3A_278 = %scan3A_208#6, %scan3A_279 = %scan3A_208#7) -> (vector<16xi32>, vector<16xi32>, vector<16xi32>, vector<16xi32>, vector<16xi32>, vector<16xi32>, vector<16xi32>, vector<16xi32>)  : i32 {
        %broadcast_in_dim3A_280 = vector.broadcast %scan3A_271 : i32 to vector<16x1xi32>
        %gather3A = vector.shape_cast %broadcast_in_dim3A_280 : vector<16x1xi32> to vector<16xi32>
        %gather3A_281 = tpu.dynamic_gather %mul3A_89[%gather3A] in [0] : vector<16xf32>, vector<16xi32> -> vector<16xf32>
        %add3A_282 = arith.constant 48 : i32
        %add3A_283 = arith.addi %add3A_282, %scan3A_271 : i32
        %iota3A_284 = tpu.iota {dimensions = array<i32: 0>} : vector<16xi32>
        %add3A_285 = arith.constant 0 : i32
        %add3A_286 = vector.broadcast %add3A_285 : i32 to vector<16xi32>
        %add3A_287 = arith.addi %iota3A_284, %add3A_286 : vector<16xi32>
        %gt3A = arith.cmpf ogt, %gather3A_281, %mul3A_23 : vector<16xf32>
        %convert_element_type3A_288 = arith.extui %gt3A : vector<16xi1> to vector<16xi32>
        %eq3A_289 = arith.cmpf oeq, %gather3A_281, %mul3A_23 : vector<16xf32>
        %lt3A = vector.broadcast %add3A_283 : i32 to vector<16xi32>
        %lt3A_290 = arith.cmpi slt, %lt3A, %add3A_287 : vector<16xi32>
        %and3A = arith.andi %eq3A_289, %lt3A_290 : vector<16xi1>
        %convert_element_type3A_291 = arith.extui %and3A : vector<16xi1> to vector<16xi32>
        %add3A_292 = arith.addi %scan3A_272, %convert_element_type3A_288 : vector<16xi32>
        %add3A_293 = arith.addi %add3A_292, %convert_element_type3A_291 : vector<16xi32>
        %iota3A_294 = tpu.iota {dimensions = array<i32: 0>} : vector<16xi32>
        %add3A_295 = arith.constant 16 : i32
        %add3A_296 = vector.broadcast %add3A_295 : i32 to vector<16xi32>
        %add3A_297 = arith.addi %iota3A_294, %add3A_296 : vector<16xi32>
        %gt3A_298 = arith.cmpf ogt, %gather3A_281, %mul3A_45 : vector<16xf32>
        %convert_element_type3A_299 = arith.extui %gt3A_298 : vector<16xi1> to vector<16xi32>
        %eq3A_300 = arith.cmpf oeq, %gather3A_281, %mul3A_45 : vector<16xf32>
        %lt3A_301 = vector.broadcast %add3A_283 : i32 to vector<16xi32>
        %lt3A_302 = arith.cmpi slt, %lt3A_301, %add3A_297 : vector<16xi32>
        %and3A_303 = arith.andi %eq3A_300, %lt3A_302 : vector<16xi1>
        %convert_element_type3A_304 = arith.extui %and3A_303 : vector<16xi1> to vector<16xi32>
        %add3A_305 = arith.addi %scan3A_273, %convert_element_type3A_299 : vector<16xi32>
        %add3A_306 = arith.addi %add3A_305, %convert_element_type3A_304 : vector<16xi32>
        %iota3A_307 = tpu.iota {dimensions = array<i32: 0>} : vector<16xi32>
        %add3A_308 = arith.constant 32 : i32
        %add3A_309 = vector.broadcast %add3A_308 : i32 to vector<16xi32>
        %add3A_310 = arith.addi %iota3A_307, %add3A_309 : vector<16xi32>
        %gt3A_311 = arith.cmpf ogt, %gather3A_281, %mul3A_67 : vector<16xf32>
        %convert_element_type3A_312 = arith.extui %gt3A_311 : vector<16xi1> to vector<16xi32>
        %eq3A_313 = arith.cmpf oeq, %gather3A_281, %mul3A_67 : vector<16xf32>
        %lt3A_314 = vector.broadcast %add3A_283 : i32 to vector<16xi32>
        %lt3A_315 = arith.cmpi slt, %lt3A_314, %add3A_310 : vector<16xi32>
        %and3A_316 = arith.andi %eq3A_313, %lt3A_315 : vector<16xi1>
        %convert_element_type3A_317 = arith.extui %and3A_316 : vector<16xi1> to vector<16xi32>
        %add3A_318 = arith.addi %scan3A_274, %convert_element_type3A_312 : vector<16xi32>
        %add3A_319 = arith.addi %add3A_318, %convert_element_type3A_317 : vector<16xi32>
        %iota3A_320 = tpu.iota {dimensions = array<i32: 0>} : vector<16xi32>
        %add3A_321 = arith.constant 48 : i32
        %add3A_322 = vector.broadcast %add3A_321 : i32 to vector<16xi32>
        %add3A_323 = arith.addi %iota3A_320, %add3A_322 : vector<16xi32>
        %gt3A_324 = arith.cmpf ogt, %gather3A_281, %mul3A_89 : vector<16xf32>
        %convert_element_type3A_325 = arith.extui %gt3A_324 : vector<16xi1> to vector<16xi32>
        %eq3A_326 = arith.cmpf oeq, %gather3A_281, %mul3A_89 : vector<16xf32>
        %lt3A_327 = vector.broadcast %add3A_283 : i32 to vector<16xi32>
        %lt3A_328 = arith.cmpi slt, %lt3A_327, %add3A_323 : vector<16xi32>
        %and3A_329 = arith.andi %eq3A_326, %lt3A_328 : vector<16xi1>
        %convert_element_type3A_330 = arith.extui %and3A_329 : vector<16xi1> to vector<16xi32>
        %add3A_331 = arith.addi %scan3A_275, %convert_element_type3A_325 : vector<16xi32>
        %add3A_332 = arith.addi %add3A_331, %convert_element_type3A_330 : vector<16xi32>
        %iota3A_333 = tpu.iota {dimensions = array<i32: 0>} : vector<16xi32>
        %add3A_334 = arith.constant 64 : i32
        %add3A_335 = vector.broadcast %add3A_334 : i32 to vector<16xi32>
        %add3A_336 = arith.addi %iota3A_333, %add3A_335 : vector<16xi32>
        %gt3A_337 = arith.cmpf ogt, %gather3A_281, %mul3A_111 : vector<16xf32>
        %convert_element_type3A_338 = arith.extui %gt3A_337 : vector<16xi1> to vector<16xi32>
        %eq3A_339 = arith.cmpf oeq, %gather3A_281, %mul3A_111 : vector<16xf32>
        %lt3A_340 = vector.broadcast %add3A_283 : i32 to vector<16xi32>
        %lt3A_341 = arith.cmpi slt, %lt3A_340, %add3A_336 : vector<16xi32>
        %and3A_342 = arith.andi %eq3A_339, %lt3A_341 : vector<16xi1>
        %convert_element_type3A_343 = arith.extui %and3A_342 : vector<16xi1> to vector<16xi32>
        %add3A_344 = arith.addi %scan3A_276, %convert_element_type3A_338 : vector<16xi32>
        %add3A_345 = arith.addi %add3A_344, %convert_element_type3A_343 : vector<16xi32>
        %iota3A_346 = tpu.iota {dimensions = array<i32: 0>} : vector<16xi32>
        %add3A_347 = arith.constant 80 : i32
        %add3A_348 = vector.broadcast %add3A_347 : i32 to vector<16xi32>
        %add3A_349 = arith.addi %iota3A_346, %add3A_348 : vector<16xi32>
        %gt3A_350 = arith.cmpf ogt, %gather3A_281, %mul3A_133 : vector<16xf32>
        %convert_element_type3A_351 = arith.extui %gt3A_350 : vector<16xi1> to vector<16xi32>
        %eq3A_352 = arith.cmpf oeq, %gather3A_281, %mul3A_133 : vector<16xf32>
        %lt3A_353 = vector.broadcast %add3A_283 : i32 to vector<16xi32>
        %lt3A_354 = arith.cmpi slt, %lt3A_353, %add3A_349 : vector<16xi32>
        %and3A_355 = arith.andi %eq3A_352, %lt3A_354 : vector<16xi1>
        %convert_element_type3A_356 = arith.extui %and3A_355 : vector<16xi1> to vector<16xi32>
        %add3A_357 = arith.addi %scan3A_277, %convert_element_type3A_351 : vector<16xi32>
        %add3A_358 = arith.addi %add3A_357, %convert_element_type3A_356 : vector<16xi32>
        %iota3A_359 = tpu.iota {dimensions = array<i32: 0>} : vector<16xi32>
        %add3A_360 = arith.constant 96 : i32
        %add3A_361 = vector.broadcast %add3A_360 : i32 to vector<16xi32>
        %add3A_362 = arith.addi %iota3A_359, %add3A_361 : vector<16xi32>
        %gt3A_363 = arith.cmpf ogt, %gather3A_281, %mul3A_155 : vector<16xf32>
        %convert_element_type3A_364 = arith.extui %gt3A_363 : vector<16xi1> to vector<16xi32>
        %eq3A_365 = arith.cmpf oeq, %gather3A_281, %mul3A_155 : vector<16xf32>
        %lt3A_366 = vector.broadcast %add3A_283 : i32 to vector<16xi32>
        %lt3A_367 = arith.cmpi slt, %lt3A_366, %add3A_362 : vector<16xi32>
        %and3A_368 = arith.andi %eq3A_365, %lt3A_367 : vector<16xi1>
        %convert_element_type3A_369 = arith.extui %and3A_368 : vector<16xi1> to vector<16xi32>
        %add3A_370 = arith.addi %scan3A_278, %convert_element_type3A_364 : vector<16xi32>
        %add3A_371 = arith.addi %add3A_370, %convert_element_type3A_369 : vector<16xi32>
        %iota3A_372 = tpu.iota {dimensions = array<i32: 0>} : vector<16xi32>
        %add3A_373 = arith.constant 112 : i32
        %add3A_374 = vector.broadcast %add3A_373 : i32 to vector<16xi32>
        %add3A_375 = arith.addi %iota3A_372, %add3A_374 : vector<16xi32>
        %gt3A_376 = arith.cmpf ogt, %gather3A_281, %mul3A_177 : vector<16xf32>
        %convert_element_type3A_377 = arith.extui %gt3A_376 : vector<16xi1> to vector<16xi32>
        %eq3A_378 = arith.cmpf oeq, %gather3A_281, %mul3A_177 : vector<16xf32>
        %lt3A_379 = vector.broadcast %add3A_283 : i32 to vector<16xi32>
        %lt3A_380 = arith.cmpi slt, %lt3A_379, %add3A_375 : vector<16xi32>
        %and3A_381 = arith.andi %eq3A_378, %lt3A_380 : vector<16xi1>
        %convert_element_type3A_382 = arith.extui %and3A_381 : vector<16xi1> to vector<16xi32>
        %add3A_383 = arith.addi %scan3A_279, %convert_element_type3A_377 : vector<16xi32>
        %add3A_384 = arith.addi %add3A_383, %convert_element_type3A_382 : vector<16xi32>
        scf.yield %add3A_293, %add3A_306, %add3A_319, %add3A_332, %add3A_345, %add3A_358, %add3A_371, %add3A_384 : vector<16xi32>, vector<16xi32>, vector<16xi32>, vector<16xi32>, vector<16xi32>, vector<16xi32>, vector<16xi32>, vector<16xi32>
      }
      %scan3A_215 = arith.constant 16 : i32
      %scan3A_216 = arith.constant 0 : i32
      %scan3A_217 = arith.constant 16 : i32
      %scan3A_218 = arith.addi %scan3A_216, %scan3A_217 : i32
      %scan3A_219 = arith.constant 1 : i32
      %scan3A_220:8 = scf.for %scan3A_271 = %scan3A_216 to %scan3A_218 step %scan3A_219 iter_args(%scan3A_272 = %scan3A_214#0, %scan3A_273 = %scan3A_214#1, %scan3A_274 = %scan3A_214#2, %scan3A_275 = %scan3A_214#3, %scan3A_276 = %scan3A_214#4, %scan3A_277 = %scan3A_214#5, %scan3A_278 = %scan3A_214#6, %scan3A_279 = %scan3A_214#7) -> (vector<16xi32>, vector<16xi32>, vector<16xi32>, vector<16xi32>, vector<16xi32>, vector<16xi32>, vector<16xi32>, vector<16xi32>)  : i32 {
        %broadcast_in_dim3A_280 = vector.broadcast %scan3A_271 : i32 to vector<16x1xi32>
        %gather3A = vector.shape_cast %broadcast_in_dim3A_280 : vector<16x1xi32> to vector<16xi32>
        %gather3A_281 = tpu.dynamic_gather %mul3A_111[%gather3A] in [0] : vector<16xf32>, vector<16xi32> -> vector<16xf32>
        %add3A_282 = arith.constant 64 : i32
        %add3A_283 = arith.addi %add3A_282, %scan3A_271 : i32
        %iota3A_284 = tpu.iota {dimensions = array<i32: 0>} : vector<16xi32>
        %add3A_285 = arith.constant 0 : i32
        %add3A_286 = vector.broadcast %add3A_285 : i32 to vector<16xi32>
        %add3A_287 = arith.addi %iota3A_284, %add3A_286 : vector<16xi32>
        %gt3A = arith.cmpf ogt, %gather3A_281, %mul3A_23 : vector<16xf32>
        %convert_element_type3A_288 = arith.extui %gt3A : vector<16xi1> to vector<16xi32>
        %eq3A_289 = arith.cmpf oeq, %gather3A_281, %mul3A_23 : vector<16xf32>
        %lt3A = vector.broadcast %add3A_283 : i32 to vector<16xi32>
        %lt3A_290 = arith.cmpi slt, %lt3A, %add3A_287 : vector<16xi32>
        %and3A = arith.andi %eq3A_289, %lt3A_290 : vector<16xi1>
        %convert_element_type3A_291 = arith.extui %and3A : vector<16xi1> to vector<16xi32>
        %add3A_292 = arith.addi %scan3A_272, %convert_element_type3A_288 : vector<16xi32>
        %add3A_293 = arith.addi %add3A_292, %convert_element_type3A_291 : vector<16xi32>
        %iota3A_294 = tpu.iota {dimensions = array<i32: 0>} : vector<16xi32>
        %add3A_295 = arith.constant 16 : i32
        %add3A_296 = vector.broadcast %add3A_295 : i32 to vector<16xi32>
        %add3A_297 = arith.addi %iota3A_294, %add3A_296 : vector<16xi32>
        %gt3A_298 = arith.cmpf ogt, %gather3A_281, %mul3A_45 : vector<16xf32>
        %convert_element_type3A_299 = arith.extui %gt3A_298 : vector<16xi1> to vector<16xi32>
        %eq3A_300 = arith.cmpf oeq, %gather3A_281, %mul3A_45 : vector<16xf32>
        %lt3A_301 = vector.broadcast %add3A_283 : i32 to vector<16xi32>
        %lt3A_302 = arith.cmpi slt, %lt3A_301, %add3A_297 : vector<16xi32>
        %and3A_303 = arith.andi %eq3A_300, %lt3A_302 : vector<16xi1>
        %convert_element_type3A_304 = arith.extui %and3A_303 : vector<16xi1> to vector<16xi32>
        %add3A_305 = arith.addi %scan3A_273, %convert_element_type3A_299 : vector<16xi32>
        %add3A_306 = arith.addi %add3A_305, %convert_element_type3A_304 : vector<16xi32>
        %iota3A_307 = tpu.iota {dimensions = array<i32: 0>} : vector<16xi32>
        %add3A_308 = arith.constant 32 : i32
        %add3A_309 = vector.broadcast %add3A_308 : i32 to vector<16xi32>
        %add3A_310 = arith.addi %iota3A_307, %add3A_309 : vector<16xi32>
        %gt3A_311 = arith.cmpf ogt, %gather3A_281, %mul3A_67 : vector<16xf32>
        %convert_element_type3A_312 = arith.extui %gt3A_311 : vector<16xi1> to vector<16xi32>
        %eq3A_313 = arith.cmpf oeq, %gather3A_281, %mul3A_67 : vector<16xf32>
        %lt3A_314 = vector.broadcast %add3A_283 : i32 to vector<16xi32>
        %lt3A_315 = arith.cmpi slt, %lt3A_314, %add3A_310 : vector<16xi32>
        %and3A_316 = arith.andi %eq3A_313, %lt3A_315 : vector<16xi1>
        %convert_element_type3A_317 = arith.extui %and3A_316 : vector<16xi1> to vector<16xi32>
        %add3A_318 = arith.addi %scan3A_274, %convert_element_type3A_312 : vector<16xi32>
        %add3A_319 = arith.addi %add3A_318, %convert_element_type3A_317 : vector<16xi32>
        %iota3A_320 = tpu.iota {dimensions = array<i32: 0>} : vector<16xi32>
        %add3A_321 = arith.constant 48 : i32
        %add3A_322 = vector.broadcast %add3A_321 : i32 to vector<16xi32>
        %add3A_323 = arith.addi %iota3A_320, %add3A_322 : vector<16xi32>
        %gt3A_324 = arith.cmpf ogt, %gather3A_281, %mul3A_89 : vector<16xf32>
        %convert_element_type3A_325 = arith.extui %gt3A_324 : vector<16xi1> to vector<16xi32>
        %eq3A_326 = arith.cmpf oeq, %gather3A_281, %mul3A_89 : vector<16xf32>
        %lt3A_327 = vector.broadcast %add3A_283 : i32 to vector<16xi32>
        %lt3A_328 = arith.cmpi slt, %lt3A_327, %add3A_323 : vector<16xi32>
        %and3A_329 = arith.andi %eq3A_326, %lt3A_328 : vector<16xi1>
        %convert_element_type3A_330 = arith.extui %and3A_329 : vector<16xi1> to vector<16xi32>
        %add3A_331 = arith.addi %scan3A_275, %convert_element_type3A_325 : vector<16xi32>
        %add3A_332 = arith.addi %add3A_331, %convert_element_type3A_330 : vector<16xi32>
        %iota3A_333 = tpu.iota {dimensions = array<i32: 0>} : vector<16xi32>
        %add3A_334 = arith.constant 64 : i32
        %add3A_335 = vector.broadcast %add3A_334 : i32 to vector<16xi32>
        %add3A_336 = arith.addi %iota3A_333, %add3A_335 : vector<16xi32>
        %gt3A_337 = arith.cmpf ogt, %gather3A_281, %mul3A_111 : vector<16xf32>
        %convert_element_type3A_338 = arith.extui %gt3A_337 : vector<16xi1> to vector<16xi32>
        %eq3A_339 = arith.cmpf oeq, %gather3A_281, %mul3A_111 : vector<16xf32>
        %lt3A_340 = vector.broadcast %add3A_283 : i32 to vector<16xi32>
        %lt3A_341 = arith.cmpi slt, %lt3A_340, %add3A_336 : vector<16xi32>
        %and3A_342 = arith.andi %eq3A_339, %lt3A_341 : vector<16xi1>
        %convert_element_type3A_343 = arith.extui %and3A_342 : vector<16xi1> to vector<16xi32>
        %add3A_344 = arith.addi %scan3A_276, %convert_element_type3A_338 : vector<16xi32>
        %add3A_345 = arith.addi %add3A_344, %convert_element_type3A_343 : vector<16xi32>
        %iota3A_346 = tpu.iota {dimensions = array<i32: 0>} : vector<16xi32>
        %add3A_347 = arith.constant 80 : i32
        %add3A_348 = vector.broadcast %add3A_347 : i32 to vector<16xi32>
        %add3A_349 = arith.addi %iota3A_346, %add3A_348 : vector<16xi32>
        %gt3A_350 = arith.cmpf ogt, %gather3A_281, %mul3A_133 : vector<16xf32>
        %convert_element_type3A_351 = arith.extui %gt3A_350 : vector<16xi1> to vector<16xi32>
        %eq3A_352 = arith.cmpf oeq, %gather3A_281, %mul3A_133 : vector<16xf32>
        %lt3A_353 = vector.broadcast %add3A_283 : i32 to vector<16xi32>
        %lt3A_354 = arith.cmpi slt, %lt3A_353, %add3A_349 : vector<16xi32>
        %and3A_355 = arith.andi %eq3A_352, %lt3A_354 : vector<16xi1>
        %convert_element_type3A_356 = arith.extui %and3A_355 : vector<16xi1> to vector<16xi32>
        %add3A_357 = arith.addi %scan3A_277, %convert_element_type3A_351 : vector<16xi32>
        %add3A_358 = arith.addi %add3A_357, %convert_element_type3A_356 : vector<16xi32>
        %iota3A_359 = tpu.iota {dimensions = array<i32: 0>} : vector<16xi32>
        %add3A_360 = arith.constant 96 : i32
        %add3A_361 = vector.broadcast %add3A_360 : i32 to vector<16xi32>
        %add3A_362 = arith.addi %iota3A_359, %add3A_361 : vector<16xi32>
        %gt3A_363 = arith.cmpf ogt, %gather3A_281, %mul3A_155 : vector<16xf32>
        %convert_element_type3A_364 = arith.extui %gt3A_363 : vector<16xi1> to vector<16xi32>
        %eq3A_365 = arith.cmpf oeq, %gather3A_281, %mul3A_155 : vector<16xf32>
        %lt3A_366 = vector.broadcast %add3A_283 : i32 to vector<16xi32>
        %lt3A_367 = arith.cmpi slt, %lt3A_366, %add3A_362 : vector<16xi32>
        %and3A_368 = arith.andi %eq3A_365, %lt3A_367 : vector<16xi1>
        %convert_element_type3A_369 = arith.extui %and3A_368 : vector<16xi1> to vector<16xi32>
        %add3A_370 = arith.addi %scan3A_278, %convert_element_type3A_364 : vector<16xi32>
        %add3A_371 = arith.addi %add3A_370, %convert_element_type3A_369 : vector<16xi32>
        %iota3A_372 = tpu.iota {dimensions = array<i32: 0>} : vector<16xi32>
        %add3A_373 = arith.constant 112 : i32
        %add3A_374 = vector.broadcast %add3A_373 : i32 to vector<16xi32>
        %add3A_375 = arith.addi %iota3A_372, %add3A_374 : vector<16xi32>
        %gt3A_376 = arith.cmpf ogt, %gather3A_281, %mul3A_177 : vector<16xf32>
        %convert_element_type3A_377 = arith.extui %gt3A_376 : vector<16xi1> to vector<16xi32>
        %eq3A_378 = arith.cmpf oeq, %gather3A_281, %mul3A_177 : vector<16xf32>
        %lt3A_379 = vector.broadcast %add3A_283 : i32 to vector<16xi32>
        %lt3A_380 = arith.cmpi slt, %lt3A_379, %add3A_375 : vector<16xi32>
        %and3A_381 = arith.andi %eq3A_378, %lt3A_380 : vector<16xi1>
        %convert_element_type3A_382 = arith.extui %and3A_381 : vector<16xi1> to vector<16xi32>
        %add3A_383 = arith.addi %scan3A_279, %convert_element_type3A_377 : vector<16xi32>
        %add3A_384 = arith.addi %add3A_383, %convert_element_type3A_382 : vector<16xi32>
        scf.yield %add3A_293, %add3A_306, %add3A_319, %add3A_332, %add3A_345, %add3A_358, %add3A_371, %add3A_384 : vector<16xi32>, vector<16xi32>, vector<16xi32>, vector<16xi32>, vector<16xi32>, vector<16xi32>, vector<16xi32>, vector<16xi32>
      }
      %scan3A_221 = arith.constant 16 : i32
      %scan3A_222 = arith.constant 0 : i32
      %scan3A_223 = arith.constant 16 : i32
      %scan3A_224 = arith.addi %scan3A_222, %scan3A_223 : i32
      %scan3A_225 = arith.constant 1 : i32
      %scan3A_226:8 = scf.for %scan3A_271 = %scan3A_222 to %scan3A_224 step %scan3A_225 iter_args(%scan3A_272 = %scan3A_220#0, %scan3A_273 = %scan3A_220#1, %scan3A_274 = %scan3A_220#2, %scan3A_275 = %scan3A_220#3, %scan3A_276 = %scan3A_220#4, %scan3A_277 = %scan3A_220#5, %scan3A_278 = %scan3A_220#6, %scan3A_279 = %scan3A_220#7) -> (vector<16xi32>, vector<16xi32>, vector<16xi32>, vector<16xi32>, vector<16xi32>, vector<16xi32>, vector<16xi32>, vector<16xi32>)  : i32 {
        %broadcast_in_dim3A_280 = vector.broadcast %scan3A_271 : i32 to vector<16x1xi32>
        %gather3A = vector.shape_cast %broadcast_in_dim3A_280 : vector<16x1xi32> to vector<16xi32>
        %gather3A_281 = tpu.dynamic_gather %mul3A_133[%gather3A] in [0] : vector<16xf32>, vector<16xi32> -> vector<16xf32>
        %add3A_282 = arith.constant 80 : i32
        %add3A_283 = arith.addi %add3A_282, %scan3A_271 : i32
        %iota3A_284 = tpu.iota {dimensions = array<i32: 0>} : vector<16xi32>
        %add3A_285 = arith.constant 0 : i32
        %add3A_286 = vector.broadcast %add3A_285 : i32 to vector<16xi32>
        %add3A_287 = arith.addi %iota3A_284, %add3A_286 : vector<16xi32>
        %gt3A = arith.cmpf ogt, %gather3A_281, %mul3A_23 : vector<16xf32>
        %convert_element_type3A_288 = arith.extui %gt3A : vector<16xi1> to vector<16xi32>
        %eq3A_289 = arith.cmpf oeq, %gather3A_281, %mul3A_23 : vector<16xf32>
        %lt3A = vector.broadcast %add3A_283 : i32 to vector<16xi32>
        %lt3A_290 = arith.cmpi slt, %lt3A, %add3A_287 : vector<16xi32>
        %and3A = arith.andi %eq3A_289, %lt3A_290 : vector<16xi1>
        %convert_element_type3A_291 = arith.extui %and3A : vector<16xi1> to vector<16xi32>
        %add3A_292 = arith.addi %scan3A_272, %convert_element_type3A_288 : vector<16xi32>
        %add3A_293 = arith.addi %add3A_292, %convert_element_type3A_291 : vector<16xi32>
        %iota3A_294 = tpu.iota {dimensions = array<i32: 0>} : vector<16xi32>
        %add3A_295 = arith.constant 16 : i32
        %add3A_296 = vector.broadcast %add3A_295 : i32 to vector<16xi32>
        %add3A_297 = arith.addi %iota3A_294, %add3A_296 : vector<16xi32>
        %gt3A_298 = arith.cmpf ogt, %gather3A_281, %mul3A_45 : vector<16xf32>
        %convert_element_type3A_299 = arith.extui %gt3A_298 : vector<16xi1> to vector<16xi32>
        %eq3A_300 = arith.cmpf oeq, %gather3A_281, %mul3A_45 : vector<16xf32>
        %lt3A_301 = vector.broadcast %add3A_283 : i32 to vector<16xi32>
        %lt3A_302 = arith.cmpi slt, %lt3A_301, %add3A_297 : vector<16xi32>
        %and3A_303 = arith.andi %eq3A_300, %lt3A_302 : vector<16xi1>
        %convert_element_type3A_304 = arith.extui %and3A_303 : vector<16xi1> to vector<16xi32>
        %add3A_305 = arith.addi %scan3A_273, %convert_element_type3A_299 : vector<16xi32>
        %add3A_306 = arith.addi %add3A_305, %convert_element_type3A_304 : vector<16xi32>
        %iota3A_307 = tpu.iota {dimensions = array<i32: 0>} : vector<16xi32>
        %add3A_308 = arith.constant 32 : i32
        %add3A_309 = vector.broadcast %add3A_308 : i32 to vector<16xi32>
        %add3A_310 = arith.addi %iota3A_307, %add3A_309 : vector<16xi32>
        %gt3A_311 = arith.cmpf ogt, %gather3A_281, %mul3A_67 : vector<16xf32>
        %convert_element_type3A_312 = arith.extui %gt3A_311 : vector<16xi1> to vector<16xi32>
        %eq3A_313 = arith.cmpf oeq, %gather3A_281, %mul3A_67 : vector<16xf32>
        %lt3A_314 = vector.broadcast %add3A_283 : i32 to vector<16xi32>
        %lt3A_315 = arith.cmpi slt, %lt3A_314, %add3A_310 : vector<16xi32>
        %and3A_316 = arith.andi %eq3A_313, %lt3A_315 : vector<16xi1>
        %convert_element_type3A_317 = arith.extui %and3A_316 : vector<16xi1> to vector<16xi32>
        %add3A_318 = arith.addi %scan3A_274, %convert_element_type3A_312 : vector<16xi32>
        %add3A_319 = arith.addi %add3A_318, %convert_element_type3A_317 : vector<16xi32>
        %iota3A_320 = tpu.iota {dimensions = array<i32: 0>} : vector<16xi32>
        %add3A_321 = arith.constant 48 : i32
        %add3A_322 = vector.broadcast %add3A_321 : i32 to vector<16xi32>
        %add3A_323 = arith.addi %iota3A_320, %add3A_322 : vector<16xi32>
        %gt3A_324 = arith.cmpf ogt, %gather3A_281, %mul3A_89 : vector<16xf32>
        %convert_element_type3A_325 = arith.extui %gt3A_324 : vector<16xi1> to vector<16xi32>
        %eq3A_326 = arith.cmpf oeq, %gather3A_281, %mul3A_89 : vector<16xf32>
        %lt3A_327 = vector.broadcast %add3A_283 : i32 to vector<16xi32>
        %lt3A_328 = arith.cmpi slt, %lt3A_327, %add3A_323 : vector<16xi32>
        %and3A_329 = arith.andi %eq3A_326, %lt3A_328 : vector<16xi1>
        %convert_element_type3A_330 = arith.extui %and3A_329 : vector<16xi1> to vector<16xi32>
        %add3A_331 = arith.addi %scan3A_275, %convert_element_type3A_325 : vector<16xi32>
        %add3A_332 = arith.addi %add3A_331, %convert_element_type3A_330 : vector<16xi32>
        %iota3A_333 = tpu.iota {dimensions = array<i32: 0>} : vector<16xi32>
        %add3A_334 = arith.constant 64 : i32
        %add3A_335 = vector.broadcast %add3A_334 : i32 to vector<16xi32>
        %add3A_336 = arith.addi %iota3A_333, %add3A_335 : vector<16xi32>
        %gt3A_337 = arith.cmpf ogt, %gather3A_281, %mul3A_111 : vector<16xf32>
        %convert_element_type3A_338 = arith.extui %gt3A_337 : vector<16xi1> to vector<16xi32>
        %eq3A_339 = arith.cmpf oeq, %gather3A_281, %mul3A_111 : vector<16xf32>
        %lt3A_340 = vector.broadcast %add3A_283 : i32 to vector<16xi32>
        %lt3A_341 = arith.cmpi slt, %lt3A_340, %add3A_336 : vector<16xi32>
        %and3A_342 = arith.andi %eq3A_339, %lt3A_341 : vector<16xi1>
        %convert_element_type3A_343 = arith.extui %and3A_342 : vector<16xi1> to vector<16xi32>
        %add3A_344 = arith.addi %scan3A_276, %convert_element_type3A_338 : vector<16xi32>
        %add3A_345 = arith.addi %add3A_344, %convert_element_type3A_343 : vector<16xi32>
        %iota3A_346 = tpu.iota {dimensions = array<i32: 0>} : vector<16xi32>
        %add3A_347 = arith.constant 80 : i32
        %add3A_348 = vector.broadcast %add3A_347 : i32 to vector<16xi32>
        %add3A_349 = arith.addi %iota3A_346, %add3A_348 : vector<16xi32>
        %gt3A_350 = arith.cmpf ogt, %gather3A_281, %mul3A_133 : vector<16xf32>
        %convert_element_type3A_351 = arith.extui %gt3A_350 : vector<16xi1> to vector<16xi32>
        %eq3A_352 = arith.cmpf oeq, %gather3A_281, %mul3A_133 : vector<16xf32>
        %lt3A_353 = vector.broadcast %add3A_283 : i32 to vector<16xi32>
        %lt3A_354 = arith.cmpi slt, %lt3A_353, %add3A_349 : vector<16xi32>
        %and3A_355 = arith.andi %eq3A_352, %lt3A_354 : vector<16xi1>
        %convert_element_type3A_356 = arith.extui %and3A_355 : vector<16xi1> to vector<16xi32>
        %add3A_357 = arith.addi %scan3A_277, %convert_element_type3A_351 : vector<16xi32>
        %add3A_358 = arith.addi %add3A_357, %convert_element_type3A_356 : vector<16xi32>
        %iota3A_359 = tpu.iota {dimensions = array<i32: 0>} : vector<16xi32>
        %add3A_360 = arith.constant 96 : i32
        %add3A_361 = vector.broadcast %add3A_360 : i32 to vector<16xi32>
        %add3A_362 = arith.addi %iota3A_359, %add3A_361 : vector<16xi32>
        %gt3A_363 = arith.cmpf ogt, %gather3A_281, %mul3A_155 : vector<16xf32>
        %convert_element_type3A_364 = arith.extui %gt3A_363 : vector<16xi1> to vector<16xi32>
        %eq3A_365 = arith.cmpf oeq, %gather3A_281, %mul3A_155 : vector<16xf32>
        %lt3A_366 = vector.broadcast %add3A_283 : i32 to vector<16xi32>
        %lt3A_367 = arith.cmpi slt, %lt3A_366, %add3A_362 : vector<16xi32>
        %and3A_368 = arith.andi %eq3A_365, %lt3A_367 : vector<16xi1>
        %convert_element_type3A_369 = arith.extui %and3A_368 : vector<16xi1> to vector<16xi32>
        %add3A_370 = arith.addi %scan3A_278, %convert_element_type3A_364 : vector<16xi32>
        %add3A_371 = arith.addi %add3A_370, %convert_element_type3A_369 : vector<16xi32>
        %iota3A_372 = tpu.iota {dimensions = array<i32: 0>} : vector<16xi32>
        %add3A_373 = arith.constant 112 : i32
        %add3A_374 = vector.broadcast %add3A_373 : i32 to vector<16xi32>
        %add3A_375 = arith.addi %iota3A_372, %add3A_374 : vector<16xi32>
        %gt3A_376 = arith.cmpf ogt, %gather3A_281, %mul3A_177 : vector<16xf32>
        %convert_element_type3A_377 = arith.extui %gt3A_376 : vector<16xi1> to vector<16xi32>
        %eq3A_378 = arith.cmpf oeq, %gather3A_281, %mul3A_177 : vector<16xf32>
        %lt3A_379 = vector.broadcast %add3A_283 : i32 to vector<16xi32>
        %lt3A_380 = arith.cmpi slt, %lt3A_379, %add3A_375 : vector<16xi32>
        %and3A_381 = arith.andi %eq3A_378, %lt3A_380 : vector<16xi1>
        %convert_element_type3A_382 = arith.extui %and3A_381 : vector<16xi1> to vector<16xi32>
        %add3A_383 = arith.addi %scan3A_279, %convert_element_type3A_377 : vector<16xi32>
        %add3A_384 = arith.addi %add3A_383, %convert_element_type3A_382 : vector<16xi32>
        scf.yield %add3A_293, %add3A_306, %add3A_319, %add3A_332, %add3A_345, %add3A_358, %add3A_371, %add3A_384 : vector<16xi32>, vector<16xi32>, vector<16xi32>, vector<16xi32>, vector<16xi32>, vector<16xi32>, vector<16xi32>, vector<16xi32>
      }
      %scan3A_227 = arith.constant 16 : i32
      %scan3A_228 = arith.constant 0 : i32
      %scan3A_229 = arith.constant 16 : i32
      %scan3A_230 = arith.addi %scan3A_228, %scan3A_229 : i32
      %scan3A_231 = arith.constant 1 : i32
      %scan3A_232:8 = scf.for %scan3A_271 = %scan3A_228 to %scan3A_230 step %scan3A_231 iter_args(%scan3A_272 = %scan3A_226#0, %scan3A_273 = %scan3A_226#1, %scan3A_274 = %scan3A_226#2, %scan3A_275 = %scan3A_226#3, %scan3A_276 = %scan3A_226#4, %scan3A_277 = %scan3A_226#5, %scan3A_278 = %scan3A_226#6, %scan3A_279 = %scan3A_226#7) -> (vector<16xi32>, vector<16xi32>, vector<16xi32>, vector<16xi32>, vector<16xi32>, vector<16xi32>, vector<16xi32>, vector<16xi32>)  : i32 {
        %broadcast_in_dim3A_280 = vector.broadcast %scan3A_271 : i32 to vector<16x1xi32>
        %gather3A = vector.shape_cast %broadcast_in_dim3A_280 : vector<16x1xi32> to vector<16xi32>
        %gather3A_281 = tpu.dynamic_gather %mul3A_155[%gather3A] in [0] : vector<16xf32>, vector<16xi32> -> vector<16xf32>
        %add3A_282 = arith.constant 96 : i32
        %add3A_283 = arith.addi %add3A_282, %scan3A_271 : i32
        %iota3A_284 = tpu.iota {dimensions = array<i32: 0>} : vector<16xi32>
        %add3A_285 = arith.constant 0 : i32
        %add3A_286 = vector.broadcast %add3A_285 : i32 to vector<16xi32>
        %add3A_287 = arith.addi %iota3A_284, %add3A_286 : vector<16xi32>
        %gt3A = arith.cmpf ogt, %gather3A_281, %mul3A_23 : vector<16xf32>
        %convert_element_type3A_288 = arith.extui %gt3A : vector<16xi1> to vector<16xi32>
        %eq3A_289 = arith.cmpf oeq, %gather3A_281, %mul3A_23 : vector<16xf32>
        %lt3A = vector.broadcast %add3A_283 : i32 to vector<16xi32>
        %lt3A_290 = arith.cmpi slt, %lt3A, %add3A_287 : vector<16xi32>
        %and3A = arith.andi %eq3A_289, %lt3A_290 : vector<16xi1>
        %convert_element_type3A_291 = arith.extui %and3A : vector<16xi1> to vector<16xi32>
        %add3A_292 = arith.addi %scan3A_272, %convert_element_type3A_288 : vector<16xi32>
        %add3A_293 = arith.addi %add3A_292, %convert_element_type3A_291 : vector<16xi32>
        %iota3A_294 = tpu.iota {dimensions = array<i32: 0>} : vector<16xi32>
        %add3A_295 = arith.constant 16 : i32
        %add3A_296 = vector.broadcast %add3A_295 : i32 to vector<16xi32>
        %add3A_297 = arith.addi %iota3A_294, %add3A_296 : vector<16xi32>
        %gt3A_298 = arith.cmpf ogt, %gather3A_281, %mul3A_45 : vector<16xf32>
        %convert_element_type3A_299 = arith.extui %gt3A_298 : vector<16xi1> to vector<16xi32>
        %eq3A_300 = arith.cmpf oeq, %gather3A_281, %mul3A_45 : vector<16xf32>
        %lt3A_301 = vector.broadcast %add3A_283 : i32 to vector<16xi32>
        %lt3A_302 = arith.cmpi slt, %lt3A_301, %add3A_297 : vector<16xi32>
        %and3A_303 = arith.andi %eq3A_300, %lt3A_302 : vector<16xi1>
        %convert_element_type3A_304 = arith.extui %and3A_303 : vector<16xi1> to vector<16xi32>
        %add3A_305 = arith.addi %scan3A_273, %convert_element_type3A_299 : vector<16xi32>
        %add3A_306 = arith.addi %add3A_305, %convert_element_type3A_304 : vector<16xi32>
        %iota3A_307 = tpu.iota {dimensions = array<i32: 0>} : vector<16xi32>
        %add3A_308 = arith.constant 32 : i32
        %add3A_309 = vector.broadcast %add3A_308 : i32 to vector<16xi32>
        %add3A_310 = arith.addi %iota3A_307, %add3A_309 : vector<16xi32>
        %gt3A_311 = arith.cmpf ogt, %gather3A_281, %mul3A_67 : vector<16xf32>
        %convert_element_type3A_312 = arith.extui %gt3A_311 : vector<16xi1> to vector<16xi32>
        %eq3A_313 = arith.cmpf oeq, %gather3A_281, %mul3A_67 : vector<16xf32>
        %lt3A_314 = vector.broadcast %add3A_283 : i32 to vector<16xi32>
        %lt3A_315 = arith.cmpi slt, %lt3A_314, %add3A_310 : vector<16xi32>
        %and3A_316 = arith.andi %eq3A_313, %lt3A_315 : vector<16xi1>
        %convert_element_type3A_317 = arith.extui %and3A_316 : vector<16xi1> to vector<16xi32>
        %add3A_318 = arith.addi %scan3A_274, %convert_element_type3A_312 : vector<16xi32>
        %add3A_319 = arith.addi %add3A_318, %convert_element_type3A_317 : vector<16xi32>
        %iota3A_320 = tpu.iota {dimensions = array<i32: 0>} : vector<16xi32>
        %add3A_321 = arith.constant 48 : i32
        %add3A_322 = vector.broadcast %add3A_321 : i32 to vector<16xi32>
        %add3A_323 = arith.addi %iota3A_320, %add3A_322 : vector<16xi32>
        %gt3A_324 = arith.cmpf ogt, %gather3A_281, %mul3A_89 : vector<16xf32>
        %convert_element_type3A_325 = arith.extui %gt3A_324 : vector<16xi1> to vector<16xi32>
        %eq3A_326 = arith.cmpf oeq, %gather3A_281, %mul3A_89 : vector<16xf32>
        %lt3A_327 = vector.broadcast %add3A_283 : i32 to vector<16xi32>
        %lt3A_328 = arith.cmpi slt, %lt3A_327, %add3A_323 : vector<16xi32>
        %and3A_329 = arith.andi %eq3A_326, %lt3A_328 : vector<16xi1>
        %convert_element_type3A_330 = arith.extui %and3A_329 : vector<16xi1> to vector<16xi32>
        %add3A_331 = arith.addi %scan3A_275, %convert_element_type3A_325 : vector<16xi32>
        %add3A_332 = arith.addi %add3A_331, %convert_element_type3A_330 : vector<16xi32>
        %iota3A_333 = tpu.iota {dimensions = array<i32: 0>} : vector<16xi32>
        %add3A_334 = arith.constant 64 : i32
        %add3A_335 = vector.broadcast %add3A_334 : i32 to vector<16xi32>
        %add3A_336 = arith.addi %iota3A_333, %add3A_335 : vector<16xi32>
        %gt3A_337 = arith.cmpf ogt, %gather3A_281, %mul3A_111 : vector<16xf32>
        %convert_element_type3A_338 = arith.extui %gt3A_337 : vector<16xi1> to vector<16xi32>
        %eq3A_339 = arith.cmpf oeq, %gather3A_281, %mul3A_111 : vector<16xf32>
        %lt3A_340 = vector.broadcast %add3A_283 : i32 to vector<16xi32>
        %lt3A_341 = arith.cmpi slt, %lt3A_340, %add3A_336 : vector<16xi32>
        %and3A_342 = arith.andi %eq3A_339, %lt3A_341 : vector<16xi1>
        %convert_element_type3A_343 = arith.extui %and3A_342 : vector<16xi1> to vector<16xi32>
        %add3A_344 = arith.addi %scan3A_276, %convert_element_type3A_338 : vector<16xi32>
        %add3A_345 = arith.addi %add3A_344, %convert_element_type3A_343 : vector<16xi32>
        %iota3A_346 = tpu.iota {dimensions = array<i32: 0>} : vector<16xi32>
        %add3A_347 = arith.constant 80 : i32
        %add3A_348 = vector.broadcast %add3A_347 : i32 to vector<16xi32>
        %add3A_349 = arith.addi %iota3A_346, %add3A_348 : vector<16xi32>
        %gt3A_350 = arith.cmpf ogt, %gather3A_281, %mul3A_133 : vector<16xf32>
        %convert_element_type3A_351 = arith.extui %gt3A_350 : vector<16xi1> to vector<16xi32>
        %eq3A_352 = arith.cmpf oeq, %gather3A_281, %mul3A_133 : vector<16xf32>
        %lt3A_353 = vector.broadcast %add3A_283 : i32 to vector<16xi32>
        %lt3A_354 = arith.cmpi slt, %lt3A_353, %add3A_349 : vector<16xi32>
        %and3A_355 = arith.andi %eq3A_352, %lt3A_354 : vector<16xi1>
        %convert_element_type3A_356 = arith.extui %and3A_355 : vector<16xi1> to vector<16xi32>
        %add3A_357 = arith.addi %scan3A_277, %convert_element_type3A_351 : vector<16xi32>
        %add3A_358 = arith.addi %add3A_357, %convert_element_type3A_356 : vector<16xi32>
        %iota3A_359 = tpu.iota {dimensions = array<i32: 0>} : vector<16xi32>
        %add3A_360 = arith.constant 96 : i32
        %add3A_361 = vector.broadcast %add3A_360 : i32 to vector<16xi32>
        %add3A_362 = arith.addi %iota3A_359, %add3A_361 : vector<16xi32>
        %gt3A_363 = arith.cmpf ogt, %gather3A_281, %mul3A_155 : vector<16xf32>
        %convert_element_type3A_364 = arith.extui %gt3A_363 : vector<16xi1> to vector<16xi32>
        %eq3A_365 = arith.cmpf oeq, %gather3A_281, %mul3A_155 : vector<16xf32>
        %lt3A_366 = vector.broadcast %add3A_283 : i32 to vector<16xi32>
        %lt3A_367 = arith.cmpi slt, %lt3A_366, %add3A_362 : vector<16xi32>
        %and3A_368 = arith.andi %eq3A_365, %lt3A_367 : vector<16xi1>
        %convert_element_type3A_369 = arith.extui %and3A_368 : vector<16xi1> to vector<16xi32>
        %add3A_370 = arith.addi %scan3A_278, %convert_element_type3A_364 : vector<16xi32>
        %add3A_371 = arith.addi %add3A_370, %convert_element_type3A_369 : vector<16xi32>
        %iota3A_372 = tpu.iota {dimensions = array<i32: 0>} : vector<16xi32>
        %add3A_373 = arith.constant 112 : i32
        %add3A_374 = vector.broadcast %add3A_373 : i32 to vector<16xi32>
        %add3A_375 = arith.addi %iota3A_372, %add3A_374 : vector<16xi32>
        %gt3A_376 = arith.cmpf ogt, %gather3A_281, %mul3A_177 : vector<16xf32>
        %convert_element_type3A_377 = arith.extui %gt3A_376 : vector<16xi1> to vector<16xi32>
        %eq3A_378 = arith.cmpf oeq, %gather3A_281, %mul3A_177 : vector<16xf32>
        %lt3A_379 = vector.broadcast %add3A_283 : i32 to vector<16xi32>
        %lt3A_380 = arith.cmpi slt, %lt3A_379, %add3A_375 : vector<16xi32>
        %and3A_381 = arith.andi %eq3A_378, %lt3A_380 : vector<16xi1>
        %convert_element_type3A_382 = arith.extui %and3A_381 : vector<16xi1> to vector<16xi32>
        %add3A_383 = arith.addi %scan3A_279, %convert_element_type3A_377 : vector<16xi32>
        %add3A_384 = arith.addi %add3A_383, %convert_element_type3A_382 : vector<16xi32>
        scf.yield %add3A_293, %add3A_306, %add3A_319, %add3A_332, %add3A_345, %add3A_358, %add3A_371, %add3A_384 : vector<16xi32>, vector<16xi32>, vector<16xi32>, vector<16xi32>, vector<16xi32>, vector<16xi32>, vector<16xi32>, vector<16xi32>
      }
      %scan3A_233 = arith.constant 16 : i32
      %scan3A_234 = arith.constant 0 : i32
      %scan3A_235 = arith.constant 16 : i32
      %scan3A_236 = arith.addi %scan3A_234, %scan3A_235 : i32
      %scan3A_237 = arith.constant 1 : i32
      %scan3A_238:8 = scf.for %scan3A_271 = %scan3A_234 to %scan3A_236 step %scan3A_237 iter_args(%scan3A_272 = %scan3A_232#0, %scan3A_273 = %scan3A_232#1, %scan3A_274 = %scan3A_232#2, %scan3A_275 = %scan3A_232#3, %scan3A_276 = %scan3A_232#4, %scan3A_277 = %scan3A_232#5, %scan3A_278 = %scan3A_232#6, %scan3A_279 = %scan3A_232#7) -> (vector<16xi32>, vector<16xi32>, vector<16xi32>, vector<16xi32>, vector<16xi32>, vector<16xi32>, vector<16xi32>, vector<16xi32>)  : i32 {
        %broadcast_in_dim3A_280 = vector.broadcast %scan3A_271 : i32 to vector<16x1xi32>
        %gather3A = vector.shape_cast %broadcast_in_dim3A_280 : vector<16x1xi32> to vector<16xi32>
        %gather3A_281 = tpu.dynamic_gather %mul3A_177[%gather3A] in [0] : vector<16xf32>, vector<16xi32> -> vector<16xf32>
        %add3A_282 = arith.constant 112 : i32
        %add3A_283 = arith.addi %add3A_282, %scan3A_271 : i32
        %iota3A_284 = tpu.iota {dimensions = array<i32: 0>} : vector<16xi32>
        %add3A_285 = arith.constant 0 : i32
        %add3A_286 = vector.broadcast %add3A_285 : i32 to vector<16xi32>
        %add3A_287 = arith.addi %iota3A_284, %add3A_286 : vector<16xi32>
        %gt3A = arith.cmpf ogt, %gather3A_281, %mul3A_23 : vector<16xf32>
        %convert_element_type3A_288 = arith.extui %gt3A : vector<16xi1> to vector<16xi32>
        %eq3A_289 = arith.cmpf oeq, %gather3A_281, %mul3A_23 : vector<16xf32>
        %lt3A = vector.broadcast %add3A_283 : i32 to vector<16xi32>
        %lt3A_290 = arith.cmpi slt, %lt3A, %add3A_287 : vector<16xi32>
        %and3A = arith.andi %eq3A_289, %lt3A_290 : vector<16xi1>
        %convert_element_type3A_291 = arith.extui %and3A : vector<16xi1> to vector<16xi32>
        %add3A_292 = arith.addi %scan3A_272, %convert_element_type3A_288 : vector<16xi32>
        %add3A_293 = arith.addi %add3A_292, %convert_element_type3A_291 : vector<16xi32>
        %iota3A_294 = tpu.iota {dimensions = array<i32: 0>} : vector<16xi32>
        %add3A_295 = arith.constant 16 : i32
        %add3A_296 = vector.broadcast %add3A_295 : i32 to vector<16xi32>
        %add3A_297 = arith.addi %iota3A_294, %add3A_296 : vector<16xi32>
        %gt3A_298 = arith.cmpf ogt, %gather3A_281, %mul3A_45 : vector<16xf32>
        %convert_element_type3A_299 = arith.extui %gt3A_298 : vector<16xi1> to vector<16xi32>
        %eq3A_300 = arith.cmpf oeq, %gather3A_281, %mul3A_45 : vector<16xf32>
        %lt3A_301 = vector.broadcast %add3A_283 : i32 to vector<16xi32>
        %lt3A_302 = arith.cmpi slt, %lt3A_301, %add3A_297 : vector<16xi32>
        %and3A_303 = arith.andi %eq3A_300, %lt3A_302 : vector<16xi1>
        %convert_element_type3A_304 = arith.extui %and3A_303 : vector<16xi1> to vector<16xi32>
        %add3A_305 = arith.addi %scan3A_273, %convert_element_type3A_299 : vector<16xi32>
        %add3A_306 = arith.addi %add3A_305, %convert_element_type3A_304 : vector<16xi32>
        %iota3A_307 = tpu.iota {dimensions = array<i32: 0>} : vector<16xi32>
        %add3A_308 = arith.constant 32 : i32
        %add3A_309 = vector.broadcast %add3A_308 : i32 to vector<16xi32>
        %add3A_310 = arith.addi %iota3A_307, %add3A_309 : vector<16xi32>
        %gt3A_311 = arith.cmpf ogt, %gather3A_281, %mul3A_67 : vector<16xf32>
        %convert_element_type3A_312 = arith.extui %gt3A_311 : vector<16xi1> to vector<16xi32>
        %eq3A_313 = arith.cmpf oeq, %gather3A_281, %mul3A_67 : vector<16xf32>
        %lt3A_314 = vector.broadcast %add3A_283 : i32 to vector<16xi32>
        %lt3A_315 = arith.cmpi slt, %lt3A_314, %add3A_310 : vector<16xi32>
        %and3A_316 = arith.andi %eq3A_313, %lt3A_315 : vector<16xi1>
        %convert_element_type3A_317 = arith.extui %and3A_316 : vector<16xi1> to vector<16xi32>
        %add3A_318 = arith.addi %scan3A_274, %convert_element_type3A_312 : vector<16xi32>
        %add3A_319 = arith.addi %add3A_318, %convert_element_type3A_317 : vector<16xi32>
        %iota3A_320 = tpu.iota {dimensions = array<i32: 0>} : vector<16xi32>
        %add3A_321 = arith.constant 48 : i32
        %add3A_322 = vector.broadcast %add3A_321 : i32 to vector<16xi32>
        %add3A_323 = arith.addi %iota3A_320, %add3A_322 : vector<16xi32>
        %gt3A_324 = arith.cmpf ogt, %gather3A_281, %mul3A_89 : vector<16xf32>
        %convert_element_type3A_325 = arith.extui %gt3A_324 : vector<16xi1> to vector<16xi32>
        %eq3A_326 = arith.cmpf oeq, %gather3A_281, %mul3A_89 : vector<16xf32>
        %lt3A_327 = vector.broadcast %add3A_283 : i32 to vector<16xi32>
        %lt3A_328 = arith.cmpi slt, %lt3A_327, %add3A_323 : vector<16xi32>
        %and3A_329 = arith.andi %eq3A_326, %lt3A_328 : vector<16xi1>
        %convert_element_type3A_330 = arith.extui %and3A_329 : vector<16xi1> to vector<16xi32>
        %add3A_331 = arith.addi %scan3A_275, %convert_element_type3A_325 : vector<16xi32>
        %add3A_332 = arith.addi %add3A_331, %convert_element_type3A_330 : vector<16xi32>
        %iota3A_333 = tpu.iota {dimensions = array<i32: 0>} : vector<16xi32>
        %add3A_334 = arith.constant 64 : i32
        %add3A_335 = vector.broadcast %add3A_334 : i32 to vector<16xi32>
        %add3A_336 = arith.addi %iota3A_333, %add3A_335 : vector<16xi32>
        %gt3A_337 = arith.cmpf ogt, %gather3A_281, %mul3A_111 : vector<16xf32>
        %convert_element_type3A_338 = arith.extui %gt3A_337 : vector<16xi1> to vector<16xi32>
        %eq3A_339 = arith.cmpf oeq, %gather3A_281, %mul3A_111 : vector<16xf32>
        %lt3A_340 = vector.broadcast %add3A_283 : i32 to vector<16xi32>
        %lt3A_341 = arith.cmpi slt, %lt3A_340, %add3A_336 : vector<16xi32>
        %and3A_342 = arith.andi %eq3A_339, %lt3A_341 : vector<16xi1>
        %convert_element_type3A_343 = arith.extui %and3A_342 : vector<16xi1> to vector<16xi32>
        %add3A_344 = arith.addi %scan3A_276, %convert_element_type3A_338 : vector<16xi32>
        %add3A_345 = arith.addi %add3A_344, %convert_element_type3A_343 : vector<16xi32>
        %iota3A_346 = tpu.iota {dimensions = array<i32: 0>} : vector<16xi32>
        %add3A_347 = arith.constant 80 : i32
        %add3A_348 = vector.broadcast %add3A_347 : i32 to vector<16xi32>
        %add3A_349 = arith.addi %iota3A_346, %add3A_348 : vector<16xi32>
        %gt3A_350 = arith.cmpf ogt, %gather3A_281, %mul3A_133 : vector<16xf32>
        %convert_element_type3A_351 = arith.extui %gt3A_350 : vector<16xi1> to vector<16xi32>
        %eq3A_352 = arith.cmpf oeq, %gather3A_281, %mul3A_133 : vector<16xf32>
        %lt3A_353 = vector.broadcast %add3A_283 : i32 to vector<16xi32>
        %lt3A_354 = arith.cmpi slt, %lt3A_353, %add3A_349 : vector<16xi32>
        %and3A_355 = arith.andi %eq3A_352, %lt3A_354 : vector<16xi1>
        %convert_element_type3A_356 = arith.extui %and3A_355 : vector<16xi1> to vector<16xi32>
        %add3A_357 = arith.addi %scan3A_277, %convert_element_type3A_351 : vector<16xi32>
        %add3A_358 = arith.addi %add3A_357, %convert_element_type3A_356 : vector<16xi32>
        %iota3A_359 = tpu.iota {dimensions = array<i32: 0>} : vector<16xi32>
        %add3A_360 = arith.constant 96 : i32
        %add3A_361 = vector.broadcast %add3A_360 : i32 to vector<16xi32>
        %add3A_362 = arith.addi %iota3A_359, %add3A_361 : vector<16xi32>
        %gt3A_363 = arith.cmpf ogt, %gather3A_281, %mul3A_155 : vector<16xf32>
        %convert_element_type3A_364 = arith.extui %gt3A_363 : vector<16xi1> to vector<16xi32>
        %eq3A_365 = arith.cmpf oeq, %gather3A_281, %mul3A_155 : vector<16xf32>
        %lt3A_366 = vector.broadcast %add3A_283 : i32 to vector<16xi32>
        %lt3A_367 = arith.cmpi slt, %lt3A_366, %add3A_362 : vector<16xi32>
        %and3A_368 = arith.andi %eq3A_365, %lt3A_367 : vector<16xi1>
        %convert_element_type3A_369 = arith.extui %and3A_368 : vector<16xi1> to vector<16xi32>
        %add3A_370 = arith.addi %scan3A_278, %convert_element_type3A_364 : vector<16xi32>
        %add3A_371 = arith.addi %add3A_370, %convert_element_type3A_369 : vector<16xi32>
        %iota3A_372 = tpu.iota {dimensions = array<i32: 0>} : vector<16xi32>
        %add3A_373 = arith.constant 112 : i32
        %add3A_374 = vector.broadcast %add3A_373 : i32 to vector<16xi32>
        %add3A_375 = arith.addi %iota3A_372, %add3A_374 : vector<16xi32>
        %gt3A_376 = arith.cmpf ogt, %gather3A_281, %mul3A_177 : vector<16xf32>
        %convert_element_type3A_377 = arith.extui %gt3A_376 : vector<16xi1> to vector<16xi32>
        %eq3A_378 = arith.cmpf oeq, %gather3A_281, %mul3A_177 : vector<16xf32>
        %lt3A_379 = vector.broadcast %add3A_283 : i32 to vector<16xi32>
        %lt3A_380 = arith.cmpi slt, %lt3A_379, %add3A_375 : vector<16xi32>
        %and3A_381 = arith.andi %eq3A_378, %lt3A_380 : vector<16xi1>
        %convert_element_type3A_382 = arith.extui %and3A_381 : vector<16xi1> to vector<16xi32>
        %add3A_383 = arith.addi %scan3A_279, %convert_element_type3A_377 : vector<16xi32>
        %add3A_384 = arith.addi %add3A_383, %convert_element_type3A_382 : vector<16xi32>
        scf.yield %add3A_293, %add3A_306, %add3A_319, %add3A_332, %add3A_345, %add3A_358, %add3A_371, %add3A_384 : vector<16xi32>, vector<16xi32>, vector<16xi32>, vector<16xi32>, vector<16xi32>, vector<16xi32>, vector<16xi32>, vector<16xi32>
      }
      %scan3A_239 = arith.constant 16 : i32
      %iota3A = tpu.iota {dimensions = array<i32: 0>} : vector<16xi32>
      %add3A_240 = arith.constant 0 : i32
      %add3A_241 = vector.broadcast %add3A_240 : i32 to vector<16xi32>
      %add3A_242 = arith.addi %iota3A, %add3A_241 : vector<16xi32>
      tpu.vector_store_idx %arg6[%scan3A_238#0], %add3A_242 : memref<128xi32, #tpu.memory_space<vmem>>[vector<16xi32>], vector<16xi32>,
      tpu.vector_store_idx %arg7[%scan3A_238#0], %mul3A_23 : memref<128xf32, #tpu.memory_space<vmem>>[vector<16xi32>], vector<16xf32>,
      %iota3A_243 = tpu.iota {dimensions = array<i32: 0>} : vector<16xi32>
      %add3A_244 = arith.constant 16 : i32
      %add3A_245 = vector.broadcast %add3A_244 : i32 to vector<16xi32>
      %add3A_246 = arith.addi %iota3A_243, %add3A_245 : vector<16xi32>
      tpu.vector_store_idx %arg6[%scan3A_238#1], %add3A_246 : memref<128xi32, #tpu.memory_space<vmem>>[vector<16xi32>], vector<16xi32>,
      tpu.vector_store_idx %arg7[%scan3A_238#1], %mul3A_45 : memref<128xf32, #tpu.memory_space<vmem>>[vector<16xi32>], vector<16xf32>,
      %iota3A_247 = tpu.iota {dimensions = array<i32: 0>} : vector<16xi32>
      %add3A_248 = arith.constant 32 : i32
      %add3A_249 = vector.broadcast %add3A_248 : i32 to vector<16xi32>
      %add3A_250 = arith.addi %iota3A_247, %add3A_249 : vector<16xi32>
      tpu.vector_store_idx %arg6[%scan3A_238#2], %add3A_250 : memref<128xi32, #tpu.memory_space<vmem>>[vector<16xi32>], vector<16xi32>,
      tpu.vector_store_idx %arg7[%scan3A_238#2], %mul3A_67 : memref<128xf32, #tpu.memory_space<vmem>>[vector<16xi32>], vector<16xf32>,
      %iota3A_251 = tpu.iota {dimensions = array<i32: 0>} : vector<16xi32>
      %add3A_252 = arith.constant 48 : i32
      %add3A_253 = vector.broadcast %add3A_252 : i32 to vector<16xi32>
      %add3A_254 = arith.addi %iota3A_251, %add3A_253 : vector<16xi32>
      tpu.vector_store_idx %arg6[%scan3A_238#3], %add3A_254 : memref<128xi32, #tpu.memory_space<vmem>>[vector<16xi32>], vector<16xi32>,
      tpu.vector_store_idx %arg7[%scan3A_238#3], %mul3A_89 : memref<128xf32, #tpu.memory_space<vmem>>[vector<16xi32>], vector<16xf32>,
      %iota3A_255 = tpu.iota {dimensions = array<i32: 0>} : vector<16xi32>
      %add3A_256 = arith.constant 64 : i32
      %add3A_257 = vector.broadcast %add3A_256 : i32 to vector<16xi32>
      %add3A_258 = arith.addi %iota3A_255, %add3A_257 : vector<16xi32>
      tpu.vector_store_idx %arg6[%scan3A_238#4], %add3A_258 : memref<128xi32, #tpu.memory_space<vmem>>[vector<16xi32>], vector<16xi32>,
      tpu.vector_store_idx %arg7[%scan3A_238#4], %mul3A_111 : memref<128xf32, #tpu.memory_space<vmem>>[vector<16xi32>], vector<16xf32>,
      %iota3A_259 = tpu.iota {dimensions = array<i32: 0>} : vector<16xi32>
      %add3A_260 = arith.constant 80 : i32
      %add3A_261 = vector.broadcast %add3A_260 : i32 to vector<16xi32>
      %add3A_262 = arith.addi %iota3A_259, %add3A_261 : vector<16xi32>
      tpu.vector_store_idx %arg6[%scan3A_238#5], %add3A_262 : memref<128xi32, #tpu.memory_space<vmem>>[vector<16xi32>], vector<16xi32>,
      tpu.vector_store_idx %arg7[%scan3A_238#5], %mul3A_133 : memref<128xf32, #tpu.memory_space<vmem>>[vector<16xi32>], vector<16xf32>,
      %iota3A_263 = tpu.iota {dimensions = array<i32: 0>} : vector<16xi32>
      %add3A_264 = arith.constant 96 : i32
      %add3A_265 = vector.broadcast %add3A_264 : i32 to vector<16xi32>
      %add3A_266 = arith.addi %iota3A_263, %add3A_265 : vector<16xi32>
      tpu.vector_store_idx %arg6[%scan3A_238#6], %add3A_266 : memref<128xi32, #tpu.memory_space<vmem>>[vector<16xi32>], vector<16xi32>,
      tpu.vector_store_idx %arg7[%scan3A_238#6], %mul3A_155 : memref<128xf32, #tpu.memory_space<vmem>>[vector<16xi32>], vector<16xf32>,
      %iota3A_267 = tpu.iota {dimensions = array<i32: 0>} : vector<16xi32>
      %add3A_268 = arith.constant 112 : i32
      %add3A_269 = vector.broadcast %add3A_268 : i32 to vector<16xi32>
      %add3A_270 = arith.addi %iota3A_267, %add3A_269 : vector<16xi32>
      tpu.vector_store_idx %arg6[%scan3A_238#7], %add3A_270 : memref<128xi32, #tpu.memory_space<vmem>>[vector<16xi32>], vector<16xi32>,
      tpu.vector_store_idx %arg7[%scan3A_238#7], %mul3A_177 : memref<128xf32, #tpu.memory_space<vmem>>[vector<16xi32>], vector<16xf32>,
      "tpu.region"() ({
        %run_scoped3A = tpu.sem_alloc : memref<!tpu.dma_semaphore, #tpu.memory_space<semaphore_mem>>
        tpu.enqueue_dma source(%arg6 : memref<128xi32, #tpu.memory_space<vmem>>) target(%arg3 : memref<128xi32, #tpu.memory_space<hbm>>) target_semaphore(%run_scoped3A : memref<!tpu.dma_semaphore, #tpu.memory_space<semaphore_mem>>)
        tpu.wait_dma2 semaphore(%run_scoped3A : memref<!tpu.dma_semaphore, #tpu.memory_space<semaphore_mem>>) src(%arg6 : memref<128xi32, #tpu.memory_space<vmem>>) dst(%arg3 : memref<128xi32, #tpu.memory_space<hbm>>)
        tpu.yield
      }) : () -> ()
      "tpu.region"() ({
        %run_scoped3A = tpu.sem_alloc : memref<!tpu.dma_semaphore, #tpu.memory_space<semaphore_mem>>
        tpu.enqueue_dma source(%arg7 : memref<128xf32, #tpu.memory_space<vmem>>) target(%arg4 : memref<128xf32, #tpu.memory_space<hbm>>) target_semaphore(%run_scoped3A : memref<!tpu.dma_semaphore, #tpu.memory_space<semaphore_mem>>)
        tpu.wait_dma2 semaphore(%run_scoped3A : memref<!tpu.dma_semaphore, #tpu.memory_space<semaphore_mem>>) src(%arg7 : memref<128xf32, #tpu.memory_space<vmem>>) dst(%arg4 : memref<128xf32, #tpu.memory_space<hbm>>)
        tpu.yield
      }) : () -> ()
    } else {
    }
    return
  }
}

module attributes {stable_mosaic.version = 14 : i64} {
  func.func @_flash_body(%arg0: i32, %arg1: memref<512x64xf32, #tpu.memory_space<vmem>>, %arg2: memref<8192x64xf32, #tpu.memory_space<vmem>>, %arg3: memref<1x8192xf32, #tpu.memory_space<vmem>>, %arg4: memref<128x1xi32, #tpu.memory_space<vmem>>, %arg5: memref<1x128xf32, #tpu.memory_space<vmem>>, %arg6: memref<512x64xf32, #tpu.memory_space<vmem>>, %arg7: memref<512x64xbf16, #tpu.memory_space<vmem>>, %arg8: memref<512x65xf32, #tpu.memory_space<vmem>>, %arg9: memref<128x64xf32, #tpu.memory_space<vmem>>) attributes {dimension_semantics = [#tpu.dimension_semantics<arbitrary>], iteration_bounds = array<i64: 8>, scalar_prefetch = 0 : i64, scratch_operands = 3 : i64, tpu.core_type = #tpu.core_type<tc>, window_params = [{pipeline_mode = #tpu.pipeline_mode<synchronous>, transform_indices = @transform_0, window_bounds = array<i64: 512, 64>}, {transform_indices = @transform_1, window_bounds = array<i64: 8192, 64>}, {transform_indices = @transform_2, window_bounds = array<i64: 1, 8192>}, {pipeline_mode = #tpu.pipeline_mode<synchronous>, transform_indices = @transform_3, window_bounds = array<i64: 128, 1>}, {pipeline_mode = #tpu.pipeline_mode<synchronous>, transform_indices = @transform_4, window_bounds = array<i64: 1, 128>}, {pipeline_mode = #tpu.pipeline_mode<synchronous>, transform_indices = @transform_5, window_bounds = array<i64: 512, 64>}]} {
    %broadcast_in_dim3A = arith.constant 1.000000e+00 : f32
    %broadcast_in_dim3A_0 = vector.broadcast %broadcast_in_dim3A : f32 to vector<1x64xf32>
    %eq3A = arith.constant 0 : i32
    %eq3A_1 = arith.cmpi eq, %arg0, %eq3A : i32
    %convert_element_type3A = arith.extui %eq3A_1 : i1 to i32
    %cond3A = arith.constant 0 : i32
    %cond3A_2 = arith.cmpi ne, %convert_element_type3A, %cond3A : i32
    scf.if %cond3A_2 {
      %get3A_45 = arith.constant 0 : index
      %get3A_46 = arith.constant 0 : index
      %get3A_47 = vector.load %arg1[%get3A_45, %get3A_46] : memref<512x64xf32, #tpu.memory_space<vmem>>, vector<512x64xf32>
      %mul3A_48 = arith.mulf %get3A_47, %get3A_47 : vector<512x64xf32>
      %reduce_sum3A = arith.constant dense<0.000000e+00> : vector<512xf32>
      %reduce_sum3A_49 = vector.multi_reduction <add>, %mul3A_48, %reduce_sum3A [1] : vector<512x64xf32> to vector<512xf32>
      %broadcast_in_dim3A_50 = vector.shape_cast %reduce_sum3A_49 : vector<512xf32> to vector<512x1xf32>
      %sqrt3A_51 = math.sqrt %broadcast_in_dim3A_50 : vector<512x1xf32>
      %max3A_52 = arith.constant 9.99999996E-13 : f32
      %max3A_53 = vector.broadcast %max3A_52 : f32 to vector<512x1xf32>
      %max3A_54 = arith.maximumf %sqrt3A_51, %max3A_53 : vector<512x1xf32>
      %div3A_55 = vector.broadcast %max3A_54 : vector<512x1xf32> to vector<512x64xf32>
      %div3A_56 = arith.divf %get3A_47, %div3A_55 : vector<512x64xf32>
      %convert_element_type3A_57 = arith.truncf %div3A_56 : vector<512x64xf32> to vector<512x64xbf16>
      %swap3A_58 = arith.constant 0 : index
      %swap3A_59 = arith.constant 0 : index
      %swap3A_60 = vector.load %arg7[%swap3A_58, %swap3A_59] : memref<512x64xbf16, #tpu.memory_space<vmem>>, vector<512x64xbf16>
      tpu.vector_store %arg7[%swap3A_58, %swap3A_59], %convert_element_type3A_57 {strides = array<i32>} : memref<512x64xbf16, #tpu.memory_space<vmem>>, vector<512x64xbf16>,
      %iota3A = tpu.iota {dimensions = array<i32: 1>} : vector<128x128xi32>
      %get3A_61 = arith.constant 0 : index
      %get3A_62 = arith.constant 0 : index
      %get3A_63 = vector.load %arg4[%get3A_61, %get3A_62] : memref<128x1xi32, #tpu.memory_space<vmem>>, vector<128x1xi32>
      %eq3A_64 = vector.broadcast %get3A_63 : vector<128x1xi32> to vector<128x128xi32>
      %eq3A_65 = arith.cmpi eq, %eq3A_64, %iota3A : vector<128x128xi32>
      %convert_element_type3A_66 = arith.extui %eq3A_65 : vector<128x128xi1> to vector<128x128xi32>
      %convert_element_type3A_67 = arith.sitofp %convert_element_type3A_66 : vector<128x128xi32> to vector<128x128xf32>
      %slice3A = vector.extract_strided_slice %get3A_47 {offsets = [0, 0], sizes = [128, 64], strides = [1, 1]} : vector<512x64xf32> to vector<128x64xf32>
      %slice3A_68 = vector.extract_strided_slice %get3A_47 {offsets = [128, 0], sizes = [128, 64], strides = [1, 1]} : vector<512x64xf32> to vector<128x64xf32>
      %add3A_69 = arith.addf %slice3A, %slice3A_68 : vector<128x64xf32>
      %slice3A_70 = vector.extract_strided_slice %get3A_47 {offsets = [256, 0], sizes = [128, 64], strides = [1, 1]} : vector<512x64xf32> to vector<128x64xf32>
      %add3A_71 = arith.addf %add3A_69, %slice3A_70 : vector<128x64xf32>
      %slice3A_72 = vector.extract_strided_slice %get3A_47 {offsets = [384, 0], sizes = [128, 64], strides = [1, 1]} : vector<512x64xf32> to vector<128x64xf32>
      %add3A_73 = arith.addf %add3A_71, %slice3A_72 : vector<128x64xf32>
      %mul3A_74 = arith.constant 2.500000e-01 : f32
      %mul3A_75 = vector.broadcast %mul3A_74 : f32 to vector<128x64xf32>
      %mul3A_76 = arith.mulf %add3A_73, %mul3A_75 : vector<128x64xf32>
      %mul3A_77 = arith.mulf %mul3A_76, %mul3A_76 : vector<128x64xf32>
      %reduce_sum3A_78 = arith.constant dense<0.000000e+00> : vector<128xf32>
      %reduce_sum3A_79 = vector.multi_reduction <add>, %mul3A_77, %reduce_sum3A_78 [1] : vector<128x64xf32> to vector<128xf32>
      %broadcast_in_dim3A_80 = vector.shape_cast %reduce_sum3A_79 : vector<128xf32> to vector<128x1xf32>
      %sqrt3A_81 = math.sqrt %broadcast_in_dim3A_80 : vector<128x1xf32>
      %max3A_82 = arith.constant 9.99999996E-13 : f32
      %max3A_83 = vector.broadcast %max3A_82 : f32 to vector<128x1xf32>
      %max3A_84 = arith.maximumf %sqrt3A_81, %max3A_83 : vector<128x1xf32>
      %div3A_85 = vector.broadcast %max3A_84 : vector<128x1xf32> to vector<128x64xf32>
      %div3A_86 = arith.divf %mul3A_76, %div3A_85 : vector<128x64xf32>
      %dot_general3A_87 = arith.constant dense<0.000000e+00> : vector<128x64xf32>
      %dot_general3A_88 = tpu.matmul %convert_element_type3A_67, %div3A_86, %dot_general3A_87 {dimension_numbers = #tpu.dot_dimension_numbers<[1], [0], [0], [1], [0, 0, 1, 1], [], []>, transpose_lhs_hint = false} : vector<128x128xf32>, vector<128x64xf32>, vector<128x64xf32> -> vector<128x64xf32>
      %mul3A_89 = arith.constant 5.000000e-02 : f32
      %mul3A_90 = vector.broadcast %mul3A_89 : f32 to vector<128x64xf32>
      %mul3A_91 = arith.mulf %mul3A_90, %dot_general3A_88 : vector<128x64xf32>
      %swap3A_92 = arith.constant 0 : index
      %swap3A_93 = arith.constant 0 : index
      %swap3A_94 = vector.load %arg9[%swap3A_92, %swap3A_93] : memref<128x64xf32, #tpu.memory_space<vmem>>, vector<128x64xf32>
      tpu.vector_store %arg9[%swap3A_92, %swap3A_93], %mul3A_91 {strides = array<i32>} : memref<128x64xf32, #tpu.memory_space<vmem>>, vector<128x64xf32>,
      %broadcast_in_dim3A_95 = arith.constant 0.000000e+00 : f32
      %broadcast_in_dim3A_96 = vector.broadcast %broadcast_in_dim3A_95 : f32 to vector<512x65xf32>
      %swap3A_97 = arith.constant 0 : index
      %swap3A_98 = arith.constant 0 : index
      %swap3A_99 = vector.load %arg8[%swap3A_97, %swap3A_98] : memref<512x65xf32, #tpu.memory_space<vmem>>, vector<512x65xf32>
      tpu.vector_store %arg8[%swap3A_97, %swap3A_98], %broadcast_in_dim3A_96 {strides = array<i32>} : memref<512x65xf32, #tpu.memory_space<vmem>>, vector<512x65xf32>,
    } else {
    }
    %get3A = arith.constant 0 : index
    %get3A_3 = arith.constant 0 : index
    %get3A_4 = vector.load %arg2[%get3A, %get3A_3] : memref<8192x64xf32, #tpu.memory_space<vmem>>, vector<8192x64xf32>
    %convert_element_type3A_5 = arith.truncf %get3A_4 : vector<8192x64xf32> to vector<8192x64xbf16>
    %mul3A = arith.mulf %get3A_4, %get3A_4 : vector<8192x64xf32>
    %dot_general3A = arith.constant dense<0.000000e+00> : vector<1x8192xf32>
    %dot_general3A_6 = tpu.matmul %broadcast_in_dim3A_0, %mul3A, %dot_general3A {dimension_numbers = #tpu.dot_dimension_numbers<[1], [1], [0], [0], [0, 0, 1, 0], [], []>, transpose_lhs_hint = false} : vector<1x64xf32>, vector<8192x64xf32>, vector<1x8192xf32> -> vector<1x8192xf32>
    %get3A_7 = arith.constant 0 : index
    %get3A_8 = arith.constant 0 : index
    %get3A_9 = vector.load %arg3[%get3A_7, %get3A_8] : memref<1x8192xf32, #tpu.memory_space<vmem>>, vector<1x8192xf32>
    %mul3A_10 = arith.constant 1.38556433 : f32
    %mul3A_11 = vector.broadcast %mul3A_10 : f32 to vector<1x8192xf32>
    %mul3A_12 = arith.mulf %mul3A_11, %get3A_9 : vector<1x8192xf32>
    %sqrt3A = math.sqrt %dot_general3A_6 : vector<1x8192xf32>
    %mul3A_13 = arith.constant 9.800000e-01 : f32
    %mul3A_14 = vector.broadcast %mul3A_13 : f32 to vector<1x8192xf32>
    %mul3A_15 = arith.mulf %mul3A_14, %sqrt3A : vector<1x8192xf32>
    %max3A = arith.constant 9.99999996E-13 : f32
    %max3A_16 = vector.broadcast %max3A : f32 to vector<1x8192xf32>
    %max3A_17 = arith.maximumf %mul3A_15, %max3A_16 : vector<1x8192xf32>
    %div3A = arith.divf %mul3A_12, %max3A_17 : vector<1x8192xf32>
    %get3A_18 = arith.constant 0 : index
    %get3A_19 = arith.constant 0 : index
    %get3A_20 = vector.load %arg7[%get3A_18, %get3A_19] : memref<512x64xbf16, #tpu.memory_space<vmem>>, vector<512x64xbf16>
    %dot_general3A_21 = arith.constant dense<0.000000e+00> : vector<512x8192xf32>
    %dot_general3A_22 = tpu.matmul %get3A_20, %convert_element_type3A_5, %dot_general3A_21 {dimension_numbers = #tpu.dot_dimension_numbers<[1], [1], [0], [0], [0, 0, 1, 0], [], []>, transpose_lhs_hint = false} : vector<512x64xbf16>, vector<8192x64xbf16>, vector<512x8192xf32> -> vector<512x8192xf32>
    %mul3A_23 = vector.broadcast %div3A : vector<1x8192xf32> to vector<512x8192xf32>
    %mul3A_24 = arith.mulf %dot_general3A_22, %mul3A_23 : vector<512x8192xf32>
    %exp23A = math.exp2 %mul3A_24 : vector<512x8192xf32>
    %convert_element_type3A_25 = arith.truncf %exp23A : vector<512x8192xf32> to vector<512x8192xbf16>
    %broadcast_in_dim3A_26 = arith.constant 1.000000e+00 : bf16
    %broadcast_in_dim3A_27 = vector.broadcast %broadcast_in_dim3A_26 : bf16 to vector<8192x1xbf16>
    %concatenate3A = tpu.concatenate %convert_element_type3A_5, %broadcast_in_dim3A_27 in 1 : vector<8192x64xbf16>, vector<8192x1xbf16> -> vector<8192x65xbf16>
    %get3A_28 = arith.constant 0 : index
    %get3A_29 = arith.constant 0 : index
    %get3A_30 = vector.load %arg8[%get3A_28, %get3A_29] : memref<512x65xf32, #tpu.memory_space<vmem>>, vector<512x65xf32>
    %dot_general3A_31 = arith.constant dense<0.000000e+00> : vector<512x65xf32>
    %dot_general3A_32 = tpu.matmul %convert_element_type3A_25, %concatenate3A, %dot_general3A_31 {dimension_numbers = #tpu.dot_dimension_numbers<[1], [0], [0], [1], [0, 0, 1, 1], [], []>, transpose_lhs_hint = false} : vector<512x8192xbf16>, vector<8192x65xbf16>, vector<512x65xf32> -> vector<512x65xf32>
    %add3A = arith.addf %get3A_30, %dot_general3A_32 : vector<512x65xf32>
    %swap3A = arith.constant 0 : index
    %swap3A_33 = arith.constant 0 : index
    %swap3A_34 = vector.load %arg8[%swap3A, %swap3A_33] : memref<512x65xf32, #tpu.memory_space<vmem>>, vector<512x65xf32>
    tpu.vector_store %arg8[%swap3A, %swap3A_33], %add3A {strides = array<i32>} : memref<512x65xf32, #tpu.memory_space<vmem>>, vector<512x65xf32>,
    %eq3A_35 = arith.constant 0 : i32
    %eq3A_36 = arith.cmpi eq, %arg0, %eq3A_35 : i32
    %convert_element_type3A_37 = arith.extui %eq3A_36 : i1 to i32
    %cond3A_38 = arith.constant 0 : i32
    %cond3A_39 = arith.cmpi ne, %convert_element_type3A_37, %cond3A_38 : i32
    scf.if %cond3A_39 {
      %get3A_45 = arith.constant 0 : index
      %get3A_46 = arith.constant 0 : index
      %get3A_47 = vector.load %arg7[%get3A_45, %get3A_46] : memref<512x64xbf16, #tpu.memory_space<vmem>>, vector<512x64xbf16>
      %get3A_48 = arith.constant 0 : index
      %get3A_49 = arith.constant 0 : index
      %get3A_50 = vector.load %arg2[%get3A_48, %get3A_49] : memref<8192x64xf32, #tpu.memory_space<vmem>>, vector<128x64xf32>
      %mul3A_51 = arith.constant 9.800000e-01 : f32
      %mul3A_52 = vector.broadcast %mul3A_51 : f32 to vector<128x64xf32>
      %mul3A_53 = arith.mulf %mul3A_52, %get3A_50 : vector<128x64xf32>
      %get3A_54 = arith.constant 0 : index
      %get3A_55 = arith.constant 0 : index
      %get3A_56 = vector.load %arg9[%get3A_54, %get3A_55] : memref<128x64xf32, #tpu.memory_space<vmem>>, vector<128x64xf32>
      %add3A_57 = arith.addf %mul3A_53, %get3A_56 : vector<128x64xf32>
      %convert_element_type3A_58 = arith.truncf %add3A_57 : vector<128x64xf32> to vector<128x64xbf16>
      %get3A_59 = arith.constant 0 : index
      %get3A_60 = arith.constant 0 : index
      %get3A_61 = vector.load %arg3[%get3A_59, %get3A_60] : memref<1x8192xf32, #tpu.memory_space<vmem>>, vector<1x8192xf32>
      %slice3A = vector.extract_strided_slice %get3A_61 {offsets = [0, 0], sizes = [1, 128], strides = [1, 1]} : vector<1x8192xf32> to vector<1x128xf32>
      %mul3A_62 = arith.constant 9.800000e-01 : f32
      %mul3A_63 = vector.broadcast %mul3A_62 : f32 to vector<1x128xf32>
      %mul3A_64 = arith.mulf %mul3A_63, %slice3A : vector<1x128xf32>
      %get3A_65 = arith.constant 0 : index
      %get3A_66 = arith.constant 0 : index
      %get3A_67 = vector.load %arg5[%get3A_65, %get3A_66] : memref<1x128xf32, #tpu.memory_space<vmem>>, vector<1x128xf32>
      %add3A_68 = arith.addf %mul3A_64, %get3A_67 : vector<1x128xf32>
      %mul3A_69 = arith.mulf %add3A_57, %add3A_57 : vector<128x64xf32>
      %dot_general3A_70 = arith.constant dense<0.000000e+00> : vector<1x128xf32>
      %dot_general3A_71 = tpu.matmul %broadcast_in_dim3A_0, %mul3A_69, %dot_general3A_70 {dimension_numbers = #tpu.dot_dimension_numbers<[1], [1], [0], [0], [0, 0, 1, 0], [], []>, transpose_lhs_hint = false} : vector<1x64xf32>, vector<128x64xf32>, vector<1x128xf32> -> vector<1x128xf32>
      %mul3A_72 = arith.constant 1.44269502 : f32
      %mul3A_73 = vector.broadcast %mul3A_72 : f32 to vector<1x128xf32>
      %mul3A_74 = arith.mulf %mul3A_73, %add3A_68 : vector<1x128xf32>
      %sqrt3A_75 = math.sqrt %dot_general3A_71 : vector<1x128xf32>
      %max3A_76 = arith.constant 9.99999996E-13 : f32
      %max3A_77 = vector.broadcast %max3A_76 : f32 to vector<1x128xf32>
      %max3A_78 = arith.maximumf %sqrt3A_75, %max3A_77 : vector<1x128xf32>
      %div3A_79 = arith.divf %mul3A_74, %max3A_78 : vector<1x128xf32>
      %dot_general3A_80 = arith.constant dense<0.000000e+00> : vector<512x128xf32>
      %dot_general3A_81 = tpu.matmul %get3A_47, %convert_element_type3A_58, %dot_general3A_80 {dimension_numbers = #tpu.dot_dimension_numbers<[1], [1], [0], [0], [0, 0, 1, 0], [], []>, transpose_lhs_hint = false} : vector<512x64xbf16>, vector<128x64xbf16>, vector<512x128xf32> -> vector<512x128xf32>
      %mul3A_82 = vector.broadcast %div3A_79 : vector<1x128xf32> to vector<512x128xf32>
      %mul3A_83 = arith.mulf %dot_general3A_81, %mul3A_82 : vector<512x128xf32>
      %exp23A_84 = math.exp2 %mul3A_83 : vector<512x128xf32>
      %convert_element_type3A_85 = arith.truncf %exp23A_84 : vector<512x128xf32> to vector<512x128xbf16>
      %mul3A_86 = arith.constant 1.02040815 : f32
      %mul3A_87 = vector.broadcast %mul3A_86 : f32 to vector<128x64xf32>
      %mul3A_88 = arith.mulf %add3A_57, %mul3A_87 : vector<128x64xf32>
      %convert_element_type3A_89 = arith.truncf %mul3A_88 : vector<128x64xf32> to vector<128x64xbf16>
      %slice3A_90 = vector.extract_strided_slice %convert_element_type3A_5 {offsets = [0, 0], sizes = [128, 64], strides = [1, 1]} : vector<8192x64xbf16> to vector<128x64xbf16>
      %dot_general3A_91 = arith.constant dense<0.000000e+00> : vector<512x128xf32>
      %dot_general3A_92 = tpu.matmul %get3A_47, %slice3A_90, %dot_general3A_91 {dimension_numbers = #tpu.dot_dimension_numbers<[1], [1], [0], [0], [0, 0, 1, 0], [], []>, transpose_lhs_hint = false} : vector<512x64xbf16>, vector<128x64xbf16>, vector<512x128xf32> -> vector<512x128xf32>
      %slice3A_93 = vector.extract_strided_slice %div3A {offsets = [0, 0], sizes = [1, 128], strides = [1, 1]} : vector<1x8192xf32> to vector<1x128xf32>
      %mul3A_94 = vector.broadcast %slice3A_93 : vector<1x128xf32> to vector<512x128xf32>
      %mul3A_95 = arith.mulf %dot_general3A_92, %mul3A_94 : vector<512x128xf32>
      %exp23A_96 = math.exp2 %mul3A_95 : vector<512x128xf32>
      %convert_element_type3A_97 = arith.truncf %exp23A_96 : vector<512x128xf32> to vector<512x128xbf16>
      %broadcast_in_dim3A_98 = arith.constant 1.000000e+00 : bf16
      %broadcast_in_dim3A_99 = vector.broadcast %broadcast_in_dim3A_98 : bf16 to vector<128x1xbf16>
      %concatenate3A_100 = tpu.concatenate %convert_element_type3A_89, %broadcast_in_dim3A_99 in 1 : vector<128x64xbf16>, vector<128x1xbf16> -> vector<128x65xbf16>
      %broadcast_in_dim3A_101 = arith.constant 1.000000e+00 : bf16
      %broadcast_in_dim3A_102 = vector.broadcast %broadcast_in_dim3A_101 : bf16 to vector<128x1xbf16>
      %concatenate3A_103 = tpu.concatenate %slice3A_90, %broadcast_in_dim3A_102 in 1 : vector<128x64xbf16>, vector<128x1xbf16> -> vector<128x65xbf16>
      %get3A_104 = arith.constant 0 : index
      %get3A_105 = arith.constant 0 : index
      %get3A_106 = vector.load %arg8[%get3A_104, %get3A_105] : memref<512x65xf32, #tpu.memory_space<vmem>>, vector<512x65xf32>
      %dot_general3A_107 = arith.constant dense<0.000000e+00> : vector<512x65xf32>
      %dot_general3A_108 = tpu.matmul %convert_element_type3A_85, %concatenate3A_100, %dot_general3A_107 {dimension_numbers = #tpu.dot_dimension_numbers<[1], [0], [0], [1], [0, 0, 1, 1], [], []>, transpose_lhs_hint = false} : vector<512x128xbf16>, vector<128x65xbf16>, vector<512x65xf32> -> vector<512x65xf32>
      %dot_general3A_109 = arith.constant dense<0.000000e+00> : vector<512x65xf32>
      %dot_general3A_110 = tpu.matmul %convert_element_type3A_97, %concatenate3A_103, %dot_general3A_109 {dimension_numbers = #tpu.dot_dimension_numbers<[1], [0], [0], [1], [0, 0, 1, 1], [], []>, transpose_lhs_hint = false} : vector<512x128xbf16>, vector<128x65xbf16>, vector<512x65xf32> -> vector<512x65xf32>
      %sub3A = arith.subf %dot_general3A_108, %dot_general3A_110 : vector<512x65xf32>
      %add3A_111 = arith.addf %get3A_106, %sub3A : vector<512x65xf32>
      %swap3A_112 = arith.constant 0 : index
      %swap3A_113 = arith.constant 0 : index
      %swap3A_114 = vector.load %arg8[%swap3A_112, %swap3A_113] : memref<512x65xf32, #tpu.memory_space<vmem>>, vector<512x65xf32>
      tpu.vector_store %arg8[%swap3A_112, %swap3A_113], %add3A_111 {strides = array<i32>} : memref<512x65xf32, #tpu.memory_space<vmem>>, vector<512x65xf32>,
    } else {
    }
    %eq3A_40 = arith.constant 7 : i32
    %eq3A_41 = arith.cmpi eq, %arg0, %eq3A_40 : i32
    %convert_element_type3A_42 = arith.extui %eq3A_41 : i1 to i32
    %cond3A_43 = arith.constant 0 : i32
    %cond3A_44 = arith.cmpi ne, %convert_element_type3A_42, %cond3A_43 : i32
    scf.if %cond3A_44 {
      %get3A_45 = arith.constant 0 : index
      %get3A_46 = arith.constant 0 : index
      %get3A_47 = vector.load %arg8[%get3A_45, %get3A_46] : memref<512x65xf32, #tpu.memory_space<vmem>>, vector<512x65xf32>
      %slice3A = vector.extract_strided_slice %get3A_47 {offsets = [0, 0], sizes = [512, 64], strides = [1, 1]} : vector<512x65xf32> to vector<512x64xf32>
      %mul3A_48 = arith.constant 9.800000e-01 : f32
      %mul3A_49 = vector.broadcast %mul3A_48 : f32 to vector<512x64xf32>
      %mul3A_50 = arith.mulf %mul3A_49, %slice3A : vector<512x64xf32>
      %slice3A_51 = vector.extract_strided_slice %get3A_47 {offsets = [0, 64], sizes = [512, 1], strides = [1, 1]} : vector<512x65xf32> to vector<512x1xf32>
      %div3A_52 = vector.broadcast %slice3A_51 : vector<512x1xf32> to vector<512x64xf32>
      %div3A_53 = arith.divf %mul3A_50, %div3A_52 : vector<512x64xf32>
      %swap3A_54 = arith.constant 0 : index
      %swap3A_55 = arith.constant 0 : index
      %swap3A_56 = vector.load %arg6[%swap3A_54, %swap3A_55] : memref<512x64xf32, #tpu.memory_space<vmem>>, vector<512x64xf32>
      tpu.vector_store %arg6[%swap3A_54, %swap3A_55], %div3A_53 {strides = array<i32>} : memref<512x64xf32, #tpu.memory_space<vmem>>, vector<512x64xf32>,
    } else {
    }
    return
  }
  func.func @transform_0(%arg0: i32) -> (i32, i32) {
    %c0_i32 = arith.constant 0 : i32
    %c0_i32_0 = arith.constant 0 : i32
    %c0_i32_1 = arith.constant 0 : i32
    return %c0_i32, %c0_i32_0 : i32, i32
  }
  func.func @transform_1(%arg0: i32) -> (i32, i32) {
    %c0_i32 = arith.constant 0 : i32
    %c0_i32_0 = arith.constant 0 : i32
    return %arg0, %c0_i32 : i32, i32
  }
  func.func @transform_2(%arg0: i32) -> (i32, i32) {
    %c0_i32 = arith.constant 0 : i32
    %c0_i32_0 = arith.constant 0 : i32
    return %c0_i32, %arg0 : i32, i32
  }
  func.func @transform_3(%arg0: i32) -> (i32, i32) {
    %c0_i32 = arith.constant 0 : i32
    %c0_i32_0 = arith.constant 0 : i32
    %c0_i32_1 = arith.constant 0 : i32
    return %c0_i32, %c0_i32_0 : i32, i32
  }
  func.func @transform_4(%arg0: i32) -> (i32, i32) {
    %c0_i32 = arith.constant 0 : i32
    %c0_i32_0 = arith.constant 0 : i32
    %c0_i32_1 = arith.constant 0 : i32
    return %c0_i32, %c0_i32_0 : i32, i32
  }
  func.func @transform_5(%arg0: i32) -> (i32, i32) {
    %c0_i32 = arith.constant 0 : i32
    %c0_i32_0 = arith.constant 0 : i32
    %c0_i32_1 = arith.constant 0 : i32
    return %c0_i32, %c0_i32_0 : i32, i32
  }
}

</mosaic_0001>

<sc_bundles>
// kernel: kernel.4.cloned.1.call-start
scs
__scs_entry_jumppad:
0x0: {  	(pc) =	sbr.rel $0x88, $3  }
0x1: {  	(tag) =	ssettag $0x0;
	lr =	simm.s32 $0x1  }
0x2: {  	[smem:$0x3F9D] =	sst lr;
	_ =	strace $0xD0000000  }
0x3: {  	_ = 	snop  }
0x4: {  	_ = 	snop  }
0x5: {  	_ = 	snop  }
0x6: {  	_ = 	snop  }
0x7: {  	_ = 	snop  }
__scs_overlays_trampoline_lowered:
0x8: {  	[smem:$0x3FAC] =	sst s0  }
0x9: {  	[smem:$0x3FAD] =	sst s1  }
0xa: {  	[smem:$0x3FAE] =	sst s2  }
0xb: {  	[smem:$0x3FAF] =	sst s3  }
0xc: {  	[smem:$0x3FB0] =	sst s4  }
0xd: {  	[smem:$0x3FB1] =	sst s5  }
0xe: {  	[smem:$0x3FB2] =	sst s6  }
0xf: {  	[smem:$0x3FB3] =	sst s7  }
0x10: {  	[smem:$0x3FB4] =	sst s8  }
0x11: {  	[smem:$0x3FB5] =	sst s9;
	s0 =	simm.s32 @!p0 $0x0  }
0x12: {  	s1 =	sld [smem:$0x3F9B];
	s0 =	simm.s32 @p0 $0x1  }
0x13: {  	[smem:$0x3FB6] =	sst s0;
	s0 =	simm.s32 @!p1 $0x0  }
0x14: {  	s2 =	sld [smem:$0x3F9A];
	s0 =	simm.s32 @p1 $0x1  }
0x15: {  	[smem:$0x3FB7] =	sst s0;
	s0 =	simm.s32 @!p2 $0x0  }
0x16: {  	s3 =	sld [smem:$0x3FDB];
	s0 =	simm.s32 @p2 $0x1  }
0x17: {  	s4 =	simm.s32 $0x1BF5;
	[smem:$0x3FB9] =	sst s0  }
0x18: {  	s0 =	sld [smem:$0x3F9C];
	_ =	swait.ge [sflag:s4], $0x0  }
0x19: {  	s7 =	sld [smem:$0x3F9D]  }
0x1a: {  	s8 =	sadd.s32 $0xFFFFE003, lr  }
0x1b: {  	s9 =	sadd.s32 $0xFFFFFEF7, lr;
	s5 =	simm.s32 $0xFFFFFFFF;
	p2 =	slt.u32 s8, $0xFFFFF086  }
0x1c: {  	p1 =	slt.u32 s9, $0xF7A;
	s5 =	simm.s32 @!p2 $0x0  }
0x1d: {  	s5 =	simm.s32 @p1 $0x1;
	p0 =	seq.s32 s7, s2  }
0x1e: {  	s7 =	smul.u32 @!p0 $0xF7A, s2;
	p2 =	seq.s32 @!p0 s5, $0x0  }
0x1f: {  	s9 =	smul.u32 $0xF7A, s1;
	s8 =	simm.s32 @!p0 $0x1BF5;
	p2 =	por !p2, p0  }
0x20: {  	[sflag:s8] =	ssyncset.s32 @!p0 $0xFFFFF086;
	s6 =	sadd.s32 @!p0 s3, s7;
	s7 =	simm.s32 @!p0 $0x108  }
0x21: {  	s3 =	sadd.s32 s3, s9;
	s6 =	sadd.s32 @!p0 $0x88, s6;
	s7 =	simm.s32 @p2 $0x1082  }
0x22: {  	[simem:s7], [sflag:s8] =	dma.local @!p0 [hbm:s6], $0xF7A  }
0x23: {  	s9 =	sor.u32 $0xD0000000, s2;
	s6 =	simm.s32 $0x108;
	_ =	swait.ge @!p0 [sflag:s8], $0x0  }
0x24: {  	s3 =	sadd.s32 $0x88, s3;
	s6 =	simm.s32 @!p1 $0x1082;
	[sflag:s4] =	ssyncset.s32 $0xFFFFF086  }
0x25: {  	[simem:s6], [sflag:s4] =	dma.local [hbm:s3], $0xF7A  }
0x26: {  	[smem:$0x3F9D] =	sst s1;
	(tag) =	ssettag s2;
	_ =	strace s9  }
0x27: {  	s1 =	sld [smem:$0x3FAD]  }
0x28: {  	s2 =	sld [smem:$0x3FAE]  }
0x29: {  	s4 =	sld [smem:$0x3FB0]  }
0x2a: {  	p0 =	seq.s32 s5, $0x0;
	s5 =	sld [smem:$0x3FB1]  }
0x2b: {  	s6 =	sld [smem:$0x3FB2]  }
0x2c: {  	s7 =	sld [smem:$0x3FB3]  }
0x2d: {  	s3 =	simm.s32 $0x108;
	s8 =	sld [smem:$0x3FB4]  }
0x2e: {  	s3 =	simm.s32 @!p0 $0x1082;
	s9 =	sld [smem:$0x3FB5]  }
0x2f: {  	lr =	sadd.s32 s0, s3;
	s0 =	sld [smem:$0x3FAC]  }
0x30: {  	s3 =	sld [smem:$0x3FAF]  }
0x31: {  	[smem:$0x3FB8] =	sst s10  }
0x32: {  	s10 =	sld [smem:$0x3FB6];
	_ =	sdelay $0x3  }
0x33: {  	p0 =	seq.s32 s10, $0x1;
	s10 =	sld [smem:$0x3FB8];
	_ =	sdelay $0x3  }
0x34: {  	[smem:$0x3FB8] =	sst s10  }
0x35: {  	s10 =	sld [smem:$0x3FB7];
	_ =	sdelay $0x3  }
0x36: {  	p1 =	seq.s32 s10, $0x1;
	s10 =	sld [smem:$0x3FB8];
	_ =	sdelay $0x3  }
0x37: {  	[smem:$0x3FB8] =	sst s10  }
0x38: {  	s10 =	sld [smem:$0x3FB9]  }
0x39: {  	_ = 	snop;
	(pc) =	sbr.ind lr, $3  }
0x3a: {  	_ = 	snop  }
0x3b: {  	_ = 	snop  }
0x3c: {  	p2 =	seq.s32 s10, $0x1;
	s10 =	sld [smem:$0x3FB8]  }
0x3d: {  	_ =	shalt  }
0x3e: {  	_ =	shalt  }
0x3f: {  	_ =	shalt  }
0x40: {  	_ =	shalt  }
0x41: {  	_ =	shalt  }
0x42: {  	_ =	shalt  }
0x43: {  	_ =	shalt  }
0x44: {  	_ =	shalt  }
0x45: {  	_ =	shalt  }
0x46: {  	_ =	shalt  }
0x47: {  	_ =	shalt  }
0x48: {  	_ =	shalt  }
0x49: {  	_ =	shalt  }
0x4a: {  	_ =	shalt  }
0x4b: {  	_ =	shalt  }
0x4c: {  	_ =	shalt  }
0x4d: {  	_ =	shalt  }
0x4e: {  	_ =	shalt  }
0x4f: {  	_ =	shalt  }
0x50: {  	_ =	shalt  }
0x51: {  	_ =	shalt  }
0x52: {  	_ =	shalt  }
0x53: {  	_ =	shalt  }
0x54: {  	_ =	shalt  }
0x55: {  	_ =	shalt  }
0x56: {  	_ =	shalt  }
0x57: {  	_ =	shalt  }
0x58: {  	_ =	shalt  }
0x59: {  	_ =	shalt  }
0x5a: {  	_ =	shalt  }
0x5b: {  	_ =	shalt  }
0x5c: {  	_ =	shalt  }
0x5d: {  	_ =	shalt  }
0x5e: {  	_ =	shalt  }
0x5f: {  	_ =	shalt  }
0x60: {  	_ =	shalt  }
0x61: {  	_ =	shalt  }
0x62: {  	_ =	shalt  }
0x63: {  	_ =	shalt  }
0x64: {  	_ =	shalt  }
0x65: {  	_ =	shalt  }
0x66: {  	_ =	shalt  }
0x67: {  	_ =	shalt  }
0x68: {  	_ =	shalt  }
0x69: {  	_ =	shalt  }
0x6a: {  	_ =	shalt  }
0x6b: {  	_ =	shalt  }
0x6c: {  	_ =	shalt  }
0x6d: {  	_ =	shalt  }
0x6e: {  	_ =	shalt  }
0x6f: {  	_ =	shalt  }
0x70: {  	_ =	shalt  }
0x71: {  	_ =	shalt  }
0x72: {  	_ =	shalt  }
0x73: {  	_ =	shalt  }
0x74: {  	_ =	shalt  }
0x75: {  	_ =	shalt  }
0x76: {  	_ =	shalt  }
0x77: {  	_ =	shalt  }
0x78: {  	_ =	shalt  }
0x79: {  	_ =	shalt  }
0x7a: {  	_ =	shalt  }
0x7b: {  	_ =	shalt  }
0x7c: {  	_ =	shalt  }
0x7d: {  	_ =	shalt  }
0x7e: {  	_ =	shalt  }
0x7f: {  	_ =	shalt  }
0x80: {  	_ =	shalt  }
0x81: {  	_ =	shalt  }
0x82: {  	_ =	shalt  }
0x83: {  	_ =	shalt  }
0x84: {  	_ =	shalt  }
0x85: {  	_ =	shalt  }
0x86: {  	_ =	shalt  }
0x87: {  	_ =	shalt  }
.Lfunc_end0:
.L_simem_size_0:
called_computation_lowered:
.L_overlay_start_0:
0x88: {  	s2 =	sld [smem:$0x3FD9]  }
0x89: {  	s3 =	sld [smem:$0x3FFE];
	_ =	sdelay $0x1  }
0x8a: {  	s1 =	srdreg.scid  }
0x8b: {  	s0 =	sand.u32 $0x1, s1  }
0x8c: {  	s17 =	sshll.u32 s0, $0xA;
	s2 =	sadd.s32 s3, s2  }
0x8d: {  	s2 =	sadd.s32 s2, s17  }
0x8e: {  	[smem:$0x3FC4] =	sst s2  }
0x8f: {  	_ = 	snop  }
0x90: {  	s2 =	sld [smem:$0x3FC8]  }
0x91: {  	s18 =	sld [smem:$0x3FD0];
	(tm) =	ssettm $0x1  }
0x92: {  	s4 =	sld [smem:$0x3FFB];
	_ =	sdelay $0x3  }
0x93: {  	_ =	strace s4  }
0x94: {  	s4 =	sld [smem:$0x3FFC];
	_ =	sdelay $0x3  }
0x95: {  	_ =	strace s4  }
0x96: {  	s4 =	sld [smem:$0x3FFD];
	_ =	sdelay $0x3  }
0x97: {  	_ =	strace s4  }
0x98: {  	_ =	strace $0x8FFFFFFF  }
0x99: {  	s19 =	sld [smem:$0x3FDB];
	_ =	sdelay $0x1  }
0x9a: {  	s5 =	simm.s32 $_scs_section_size  }
0x9b: {  	s6 =	simm.s32 $_size__tile_overlayer_lowered;
	s7 =	simm.s32 $_tile_overlayer_lowered  }
0x9c: {  	s22 =	simm.s32 $0x1BFF;
	s21 =	sshll.u32 s7, $0x1;
	s4 =	sadd.s32 s5, s19  }
0x9d: {  	s8 =	simm.s32 $0x0;
	s20 =	sshll.u32 s6, $0x1;
	s6 =	sadd.s32 s21, s4  }
0x9e: {  	[timem:s8], [sflag:s22] =	dma.local [hbm:s6], s20  }
0x9f: {  	_ =	swait.ge [sflag:s22], s20  }
0xa0: {  	s5 =	ssub.s32 $0x0, s20;
	[sflag:s22] =	ssyncset.done $0x0  }
0xa1: {  	[sflag:s22] =	ssyncadd.s32 s5;
	_ =	sdelay $0x1  }
0xa2: {  	s23 =	simm.s32 $0x1B8B  }
0xa3: {  	_ =	swait.ge [sflag:s23], $0x1  }
0xa4: {  	[sflag:s23] =	ssyncset.done $0x0  }
0xa5: {  	s25 =	simm.s32 $0x1B8E;
	s24 =	sld [smem:$0x3FFE];
	[sflag:s23] =	ssyncadd.s32 $0xFFFFFFFF  }
0xa6: {  	s26 =	simm.s32 $execute0_lowered;
	[smem:$0x3FD2] =	sst s25  }
0xa7: {  	s6 =	sshll.u32 s26, $0x1;
	_ =	strace $0x80000046;
	[dreg:$0x1] =	wrdreg $0xFFFFFFFF  }
0xa8: {  	s28 =	simm.s32 $_size_execute0_lowered;
	s4 =	sadd.s32 s4, s6;
	[dreg:$0x0] =	wrdreg $0x0  }
0xa9: {  	s6 =	sshll.u32 s28, $0x1;
	[dreg:$0x2] =	wrdreg s4  }
0xaa: {  	[dreg:$0x3] =	wrdreg s6  }
0xab: {  	[dreg:$0x4] =	wrdreg $0xC0  }
0xac: {  	_ =	task [dreg:s8], $0x5FFFF  }
0xad: {  	[dreg:$0x1] =	wrdreg $0xFFFFFFFF  }
0xae: {  	[dreg:$0x0] =	wrdreg $0x60  }
0xaf: {  	[dreg:$0x2] =	wrdreg s2  }
0xb0: {  	[dreg:$0x3] =	wrdreg s18  }
0xb1: {  	[dreg:$0x4] =	wrdreg s24  }
0xb2: {  	[dreg:$0x5] =	wrdreg $0x9  }
0xb3: {  	_ =	task.clear_ibuf [dreg:s8], $0x6FFFF;
	_ =	strace $0x90000046  }
0xb4: {  	s29 =	simm.s32 $0x9;
	_ =	strace $0x80000048  }
0xb5: {  	_ =	swait.ge [sflag:s29], $0x1  }
0xb6: {  	[sflag:s29] =	ssyncadd.s32 $0xFFFFFFFF  }
0xb7: {  	_ =	strace $0x90000048  }
0xb8: {  	_ =	sfence  }
0xb9: {  	s30 =	sld [smem:$0x0];
	_ =	sdelay $0x2  }
0xba: {  	s31 =	sshll.u32 s1, $0xD;
	s1 =	sshrl.u32 s1, $0x2  }
0xbb: {  	s3 =	sand.u32 $0x4000, s31;
	s1 =	sadd.s32 s1, s30  }
0xbc: {  	s0 =	sor.u32 s3, s0;
	s1 =	sshll.u32 s1, $0x11  }
0xbd: {  	s0 =	sor.u32 s1, s0  }
0xbe: {  	s0 =	sadd.s32 $0x8F2B, s0  }
0xbf: {  	[sflag:s0] =	ssyncadd.remote.s32 $0x1  }
0xc0: {  	_ =	sfence.sel $0xFFFF  }
0xc1: {  	[dreg:$0x0] =	wrdreg $0xFFFFFFFF;
	(pc) =	sbr.abs _section_cstart, $3  }
0xc2: {  	[dreg:$0x1] =	wrdreg $0xFFFFFFFF  }
0xc3: {  	_ =	task.clear_ibuf [dreg:s8], $0x2FFFF;
	_ =	strace $0x9FFFFFFF  }
0xc4: {  	(tm) =	ssettm $0x7FFFFFFF  }
0xc5: {  	_ =	shalt  }
tec
execute0_lowered:
.L_overlay_start_1:
0x0: {  	(tag) =	ssettag $0x1  }
0x1: {  	s0 =	srdreg.scid  }
0x2: {  	s5 =	sand.u32 $0x1, s0;
	s0 =	stileid.u32  }
0x3: {  	s6 =	sshll.u32 s0, $0x1;
	s7 =	ssub.s32 $0x0, s5  }
0x4: {  	p0 =	sne.s32 s6, s7  }
.Ltmp0:
0x5: {  	_ = 	snop;
	(pc) =	sbr.rel @p0 .LBB2_19-.Ltmp0, $4  }
0x6: {  	s1 =	rddreg [dreg:$0x0]  }
0x7: {  	s3 =	rddreg [dreg:$0x1]  }
0x8: {  	s4 =	rddreg [dreg:$0x2]  }
0x9: {  	s2 =	rddreg [dreg:$0x3];
	_ =	strace $0x80000047  }
0xa: {  	s5 =	ssub.s32 $0x2, s5;
	v0 =	vlaneseq.u32  }
0xb: {  	s4 =	sadd.s32 $0xC00, s4;
	v1 =	vimm.s32 $0x0;
	s7 =	simm.s32 $0x1;
	s6 =	sshrl.u32 s5, $0x1;
	v2 =	vor.u32 $0x10, v0  }
0xc: {  	s8 =	simm.s32 $0x200;
	s9 =	simm.s32 $0x280;
	v3 =	vor.u32 $0x20, v0;
	v4 =	vor.u32 $0x30, v0;
	v5 =	vor.u32 $0x40, v0;
	s5 =	ssub.s32 s5, s6  }
0xd: {  	s10 =	simm.s32 $0x0;
	v6 =	vor.u32 $0x50, v0;
	v7 =	vor.u32 $0x60, v0;
	v8 =	vor.u32 $0x70, v0;
	s6 =	simm.s32 $0x0;
	s5 =	smax.u32 s5, $0x1  }
.LBB2_2:
0xe: {  	[tilespmem:s6], [sflag:$0x1] =	stream.linear.gather [hbm4b:s1+s6], $0x200, $0x38;
	[tilespmem:$0x300] =	vst v63  }
0xf: {  	_ =	swait.ge [sflag:s7], $0x200  }
0x10: {  	[sflag:s7] =	ssyncset.done $0x0  }
0x11: {  	[sflag:s7] =	ssyncadd.s32 $0xFFFFFE00  }
0x12: {  	v9 =	vld [tilespmem:$0x0]  }
0x13: {  	v10 =	vld [tilespmem:$0x80]  }
0x14: {  	v11 =	vld [tilespmem:$0x100]  }
0x15: {  	v12 =	vld [tilespmem:$0x180]  }
0x16: {  	v13 =	vld [tilespmem:$0x10]  }
0x17: {  	v14 =	vld [tilespmem:$0x90]  }
0x18: {  	v15 =	vld [tilespmem:$0x110]  }
0x19: {  	v16 =	vld [tilespmem:$0x190]  }
0x1a: {  	v17 =	vld [tilespmem:$0x20]  }
0x1b: {  	v18 =	vld [tilespmem:$0xA0]  }
0x1c: {  	v19 =	vld [tilespmem:$0x120]  }
0x1d: {  	v20 =	vld [tilespmem:$0x1A0]  }
0x1e: {  	v21 =	vld [tilespmem:$0x30]  }
0x1f: {  	v22 =	vld [tilespmem:$0xB0]  }
0x20: {  	v23 =	vld [tilespmem:$0x130]  }
0x21: {  	v24 =	vld [tilespmem:$0x1B0]  }
0x22: {  	v25 =	vld [tilespmem:$0x40]  }
0x23: {  	v26 =	vld [tilespmem:$0xC0]  }
0x24: {  	v27 =	vld [tilespmem:$0x140]  }
0x25: {  	v28 =	vld [tilespmem:$0x1C0]  }
0x26: {  	v29 =	vld [tilespmem:$0x50]  }
0x27: {  	v30 =	vld [tilespmem:$0xD0]  }
0x28: {  	v31 =	vld [tilespmem:$0x150]  }
0x29: {  	v32 =	vld [tilespmem:$0x1D0];
	v9 =	vadd.f32 v10, v9  }
0x2a: {  	v10 =	vld [tilespmem:$0x60];
	v13 =	vadd.f32 v14, v13;
	v14 =	vadd.f32 v18, v17  }
0x2b: {  	v17 =	vld [tilespmem:$0xE0];
	v9 =	vadd.f32 v11, v9;
	v11 =	vadd.f32 v22, v21  }
0x2c: {  	v18 =	vld [tilespmem:$0x70];
	v13 =	vadd.f32 v15, v13;
	v14 =	vadd.f32 v19, v14  }
0x2d: {  	v15 =	vld [tilespmem:$0xF0];
	v21 =	vadd.f32 v30, v29;
	v9 =	vadd.f32 v12, v9  }
0x2e: {  	v11 =	vadd.f32 v23, v11;
	v12 =	vld [tilespmem:$0x160];
	v13 =	vadd.f32 v16, v13  }
0x2f: {  	v19 =	vld [tilespmem:$0x170];
	v14 =	vadd.f32 v20, v14;
	v16 =	vadd.f32 v26, v25;
	v26 =	vimm.s32 $0x0  }
0x30: {  	v20 =	vld [tilespmem:$0x1E0];
	v23 =	vimm.s32 $0x0;
	v10 =	vadd.f32 v17, v10;
	v11 =	vadd.f32 v24, v11  }
0x31: {  	v17 =	vld [tilespmem:$0x1F0];
	v22 =	vadd.f32 v27, v16;
	v16 =	vmul.f32 $2.500000000e-01, v9;
	v9 =	vadd.f32 v31, v21  }
0x32: {  	v14 =	vmul.f32 $2.500000000e-01, v14;
	v24 =	vimm.s32 $0x0;
	v18 =	vadd.f32 v15, v18  }
0x33: {  	v15 =	vmul.f32 $2.500000000e-01, v13;
	v9 =	vadd.f32 v32, v9;
	v10 =	vadd.f32 v12, v10  }
0x34: {  	v13 =	vmul.f32 $2.500000000e-01, v11;
	v12 =	vadd.f32 v28, v22;
	v18 =	vadd.f32 v19, v18  }
0x35: {  	v28 =	vimm.s32 $0x0;
	v22 =	vimm.s32 $0x0;
	v19 =	vimm.s32 $0x0  }
0x36: {  	v10 =	vadd.f32 v20, v10;
	v11 =	vmul.f32 $2.500000000e-01, v12;
	v17 =	vadd.f32 v17, v18  }
0x37: {  	v12 =	vmul.f32 $2.500000000e-01, v9;
	v18 =	vmov s6;
	v20 =	vimm.s32 $0x0  }
0x38: {  	vm4 =	vlt.u32 v18, v2;
	vm3 =	vlt.u32 v18, v4;
	v9 =	vmul.f32 $2.500000000e-01, v10  }
0x39: {  	vm5 =	vlt.u32 v18, v0;
	v10 =	vmul.f32 $2.500000000e-01, v17;
	v17 =	vperm.xlane v16, v18  }
0x3a: {  	vm2 =	vlt.u32 v18, v3;
	vm1 =	vlt.u32 v18, v8;
	vm6 =	vlt.u32 v18, v7  }
0x3b: {  	vm0 =	vgt.f32 v17, v16;
	vm8 =	veq.f32 v17, v16;
	vm7 =	veq.f32 v17, v15  }
0x3c: {  	vm9 =	vgt.f32 v17, v15;
	v31 =	vsel vm0, $0x1, v1;
	vm0 =	vlt.u32 v18, v6  }
0x3d: {  	s11 =	simm.s32 $0x1;
	vm8 =	vmand vm5, vm8;
	vm5 =	vlt.u32 v18, v5;
	v18 =	vimm.s32 $0x0  }
.LBB2_3:
0x3e: {  	p0 =	sne.s32 s11, $0xF;
	v21 =	vsel vm8, $0x1, v1;
	v25 =	vsel vm9, $0x1, v1;
	vm8 =	veq.f32 v17, v10;
	s12 =	smov.u32 s11;
	s11 =	sadd.s32 $0x1, s11  }
0x3f: {  	v27 =	vadd.s32 v31, v28;
	vm9 =	veq.f32 v17, v14;
	vm10 =	veq.f32 v17, v9  }
0x40: {  	vm7 =	vmand vm4, vm7;
	vm4 =	veq.f32 v17, v12;
	vm6 =	vmand vm6, vm10  }
0x41: {  	vm11 =	veq.f32 v17, v11;
	v24 =	vadd.s32 v25, v24;
	vm10 =	vgt.f32 v17, v13  }
0x42: {  	vm12 =	veq.f32 v17, v13;
	vm13 =	vgt.f32 v17, v9;
	vm14 =	vgt.f32 v17, v10  }
0x43: {  	v25 =	vsel vm7, $0x1, v1;
	vm3 =	vmand vm3, vm12;
	v28 =	vsel vm14, $0x1, v1  }
0x44: {  	vm7 =	vgt.f32 v17, v14;
	vm5 =	vmand vm5, vm11;
	v24 =	vadd.s32 v25, v24  }
0x45: {  	vm2 =	vmand vm2, vm9;
	vm9 =	vgt.f32 v17, v11;
	v25 =	vsel vm10, $0x1, v1  }
0x46: {  	v29 =	vsel vm7, $0x1, v1;
	vm7 =	vgt.f32 v17, v12;
	v25 =	vadd.s32 v25, v26  }
0x47: {  	vm1 =	vmand vm1, vm8;
	v17 =	vsel vm2, $0x1, v1;
	v26 =	vsel vm13, $0x1, v1  }
0x48: {  	v30 =	vsel vm5, $0x1, v1;
	v22 =	vadd.s32 v29, v22;
	v29 =	vsel vm3, $0x1, v1  }
0x49: {  	v32 =	vsel vm6, $0x1, v1;
	v20 =	vadd.s32 v28, v20;
	v31 =	vsel vm7, $0x1, v1  }
0x4a: {  	vm0 =	vmand vm0, vm4;
	v28 =	vsel vm1, $0x1, v1;
	v23 =	vadd.s32 v31, v23  }
0x4b: {  	v20 =	vadd.s32 v28, v20;
	v22 =	vadd.s32 v17, v22;
	v17 =	vadd.s32 v26, v19  }
0x4c: {  	v28 =	vsel vm9, $0x1, v1;
	v31 =	vsel vm0, $0x1, v1;
	v19 =	vadd.s32 v32, v17  }
0x4d: {  	v26 =	vadd.s32 v29, v25;
	v17 =	vadd.s32 v28, v18;
	v23 =	vadd.s32 v31, v23  }
0x4e: {  	v25 =	vmov s12;
	v28 =	vadd.s32 v21, v27;
	v18 =	vadd.s32 v30, v17  }
.Ltmp1:
0x4f: {  	vm4 =	vlt.u32 v25, v2;
	vm3 =	vlt.u32 v25, v4;
	v17 =	vperm.xlane v16, v25;
	(pc) =	sbr.rel @p0 .LBB2_3-.Ltmp1, $4  }
0x50: {  	vm5 =	vlt.u32 v25, v0;
	vm2 =	vlt.u32 v25, v3;
	vm1 =	vlt.u32 v25, v8  }
0x51: {  	vm6 =	vlt.u32 v25, v7;
	vm0 =	vgt.f32 v17, v16;
	vm8 =	veq.f32 v17, v16  }
0x52: {  	vm7 =	veq.f32 v17, v15;
	v31 =	vsel vm0, $0x1, v1;
	vm0 =	vlt.u32 v25, v6  }
0x53: {  	vm9 =	vgt.f32 v17, v15;
	vm8 =	vmand vm5, vm8;
	vm5 =	vlt.u32 v25, v5  }
0x54: {  	v21 =	vsel vm8, $0x1, v1;
	v38 =	vsel vm9, $0x1, v1  }
0x55: {  	vm8 =	veq.f32 v17, v10;
	vm9 =	veq.f32 v17, v9;
	vm4 =	vmand vm4, vm7  }
0x56: {  	vm13 =	veq.f32 v17, v14;
	vm14 =	vgt.f32 v17, v9;
	v28 =	vadd.s32 v31, v28  }
0x57: {  	[tilespmem:$0x1FFF0] =	vst v21;
	vm6 =	vmand vm6, vm9;
	vm9 =	veq.f32 v17, v13;
	v21 =	vsel vm4, $0x1, v1  }
0x58: {  	s31 =	simm.s32 $0x11;
	vm4 =	vgt.f32 v17, v10;
	vm2 =	vmand vm2, vm13;
	v46 =	vsel vm14, $0x1, v1  }
0x59: {  	vm1 =	vmand vm1, vm8;
	v27 =	vmov s31;
	v24 =	vadd.s32 v38, v24  }
0x5a: {  	[tilespmem:$0x1FFD0] =	vst v21;
	vm3 =	vmand vm3, vm9;
	vm9 =	veq.f32 v17, v12;
	v21 =	vsel vm4, $0x1, v1  }
0x5b: {  	vm4 =	veq.f32 v17, v11;
	v45 =	vsel vm2, $0x1, v1;
	vm2 =	vgt.f32 v17, v12  }
0x5c: {  	v50 =	vsel vm6, $0x1, v1;
	v51 =	vsel vm1, $0x1, v1;
	vm13 =	vlt.u32 v27, v7  }
0x5d: {  	vm14 =	vlt.u32 v27, v8;
	v19 =	vadd.s32 v46, v19;
	vm4 =	vmand vm5, vm4  }
0x5e: {  	s11 =	simm.s32 $0x0;
	vm5 =	vgt.f32 v17, v13;
	v47 =	vsel vm3, $0x1, v1;
	v49 =	vsel vm2, $0x1, v1  }
0x5f: {  	[tilespmem:$0x1FFE0] =	vst v21;
	vm0 =	vmand vm0, vm9;
	v21 =	vmov s11;
	v43 =	vsel vm5, $0x1, v1  }
0x60: {  	vm5 =	vgt.f32 v17, v14;
	v48 =	vsel vm4, $0x1, v1;
	v53 =	vsel vm0, $0x1, v1  }
0x61: {  	s12 =	simm.s32 $0x10;
	v25 =	vperm.xlane v15, v21;
	v23 =	vadd.s32 v49, v23;
	v44 =	vsel vm5, $0x1, v1  }
0x62: {  	vm5 =	vgt.f32 v17, v11;
	v17 =	vmov s12;
	v26 =	vadd.s32 v43, v26  }
0x63: {  	v23 =	vadd.s32 v53, v23;
	v52 =	vsel vm5, $0x1, v1;
	vm0 =	vlt.u32 v17, v2  }
0x64: {  	vm1 =	vlt.u32 v17, v3;
	vm2 =	vlt.u32 v17, v4;
	vm3 =	vlt.u32 v17, v5  }
0x65: {  	vm4 =	vlt.u32 v17, v6;
	vm5 =	vgt.f32 v25, v15;
	vm15 =	vlt.u32 v17, v7  }
0x66: {  	vm12 =	vlt.u32 v17, v8;
	vm8 =	veq.f32 v25, v15;
	vm9 =	vgt.f32 v25, v14  }
0x67: {  	v31 =	vld [tilespmem:$0x1FFD0];
	v22 =	vadd.s32 v44, v22;
	v54 =	vsel vm5, $0x1, v1;
	vm5 =	veq.f32 v25, v14  }
0x68: {  	vm0 =	vmand vm0, vm8;
	vm8 =	vgt.f32 v25, v13;
	v55 =	vsel vm9, $0x1, v1  }
0x69: {  	vm9 =	veq.f32 v25, v13;
	v22 =	vadd.s32 v45, v22;
	vm1 =	vmand vm1, vm5  }
0x6a: {  	vm5 =	vgt.f32 v25, v11;
	v56 =	vsel vm8, $0x1, v1;
	vm8 =	veq.f32 v25, v11  }
0x6b: {  	vm2 =	vmand vm2, vm9;
	vm9 =	vgt.f32 v25, v12;
	v61 =	vsel vm0, $0x1, v1  }
0x6c: {  	vm0 =	vgt.f32 v25, v16;
	v24 =	vadd.s32 v31, v24;
	v22 =	vadd.s32 v55, v22  }
0x6d: {  	v57 =	vsel vm5, $0x1, v1;
	vm5 =	veq.f32 v25, v12;
	vm3 =	vmand vm3, vm8  }
0x6e: {  	vm8 =	vgt.f32 v25, v9;
	v58 =	vsel vm9, $0x1, v1;
	vm9 =	veq.f32 v25, v9  }
0x6f: {  	v62 =	vsel vm1, $0x1, v1;
	v63 =	vsel vm2, $0x1, v1;
	v17 =	vsel vm0, $0x1, v1  }
0x70: {  	vm0 =	vlt.u32 v27, v2;
	vm1 =	vlt.u32 v27, v3;
	vm2 =	vlt.u32 v27, v4  }
0x71: {  	v24 =	vadd.s32 v54, v24;
	vm4 =	vmand vm4, vm5;
	vm5 =	vgt.f32 v25, v10  }
0x72: {  	s30 =	simm.s32 $0x1;
	v59 =	vsel vm8, $0x1, v1;
	vm8 =	veq.f32 v25, v10;
	vm6 =	vmand vm15, vm9  }
0x73: {  	[tilespmem:$0x1FFC0] =	vst v21;
	v31 =	vld [tilespmem:$0x1FFE0];
	v21 =	vsel vm3, $0x1, v1;
	v25 =	vmov s30;
	vm3 =	vlt.u32 v27, v5  }
0x74: {  	v60 =	vsel vm5, $0x1, v1;
	vm5 =	vmand vm12, vm8;
	v34 =	vperm.xlane v15, v25  }
0x75: {  	v42 =	vsel vm4, $0x1, v1;
	v36 =	vsel vm6, $0x1, v1;
	vm4 =	vlt.u32 v27, v6  }
0x76: {  	v41 =	vsel vm5, $0x1, v1;
	vm5 =	vgt.f32 v34, v15;
	vm8 =	veq.f32 v34, v15  }
0x77: {  	vm9 =	vgt.f32 v34, v14;
	vm10 =	vgt.f32 v34, v12;
	vm15 =	vgt.f32 v34, v10  }
0x78: {  	v20 =	vadd.s32 v31, v20;
	v40 =	vsel vm5, $0x1, v1;
	vm5 =	veq.f32 v34, v14  }
0x79: {  	vm8 =	vmand vm0, vm8;
	vm0 =	vgt.f32 v34, v13;
	v27 =	vsel vm9, $0x1, v1  }
0x7a: {  	vm9 =	veq.f32 v34, v13;
	v32 =	vsel vm10, $0x1, v1;
	v35 =	vsel vm15, $0x1, v1  }
0x7b: {  	v31 =	vadd.s32 v51, v20;
	v51 =	vadd.s32 v50, v19;
	v19 =	vadd.s32 v47, v26  }
0x7c: {  	v20 =	vadd.s32 v52, v18;
	vm5 =	vmand vm1, vm5;
	vm1 =	vgt.f32 v34, v11  }
0x7d: {  	v29 =	vsel vm0, $0x1, v1;
	vm0 =	veq.f32 v34, v11;
	vm9 =	vmand vm2, vm9  }
0x7e: {  	v18 =	vld [tilespmem:$0x1FFF0];
	vm2 =	veq.f32 v34, v9;
	v39 =	vsel vm8, $0x1, v1;
	v20 =	vadd.s32 v48, v20  }
0x7f: {  	v30 =	vsel vm1, $0x1, v1;
	vm1 =	veq.f32 v34, v12;
	vm11 =	vmand vm3, vm0  }
0x80: {  	vm3 =	veq.f32 v34, v10;
	vm2 =	vmand vm13, vm2;
	v37 =	vsel vm5, $0x1, v1  }
0x81: {  	v38 =	vsel vm9, $0x1, v1;
	vm1 =	vmand vm4, vm1;
	vm4 =	vgt.f32 v34, v9  }
0x82: {  	v26 =	vadd.s32 v57, v20;
	vm3 =	vmand vm14, vm3;
	v33 =	vsel vm4, $0x1, v1  }
0x83: {  	v18 =	vadd.s32 v18, v28;
	v28 =	vadd.s32 v61, v24;
	v24 =	vadd.s32 v56, v19  }
0x84: {  	v19 =	vadd.s32 v62, v22;
	v22 =	vadd.s32 v21, v26;
	v21 =	vadd.s32 v58, v23  }
0x85: {  	v26 =	vadd.s32 v60, v31;
	v20 =	vadd.s32 v63, v24;
	v24 =	vadd.s32 v59, v51  }
0x86: {  	s11 =	simm.s32 $0x2;
	v23 =	vadd.s32 v42, v21;
	v26 =	vadd.s32 v41, v26;
	v24 =	vadd.s32 v36, v24  }
.LBB2_5:
0x87: {  	v21 =	vadd.s32 v40, v28;
	v19 =	vadd.s32 v27, v19  }
0x88: {  	v24 =	vadd.s32 v33, v24;
	s12 =	sadd.s32 $0x10, s11;
	vm0 =	vgt.f32 v34, v16;
	v18 =	vadd.s32 v17, v18  }
0x89: {  	v28 =	vadd.s32 v39, v21;
	v21 =	vsel vm2, $0x1, v1;
	v27 =	vmov s12  }
0x8a: {  	v17 =	vsel vm0, $0x1, v1;
	v24 =	vadd.s32 v21, v24;
	v21 =	vmov s11  }
0x8b: {  	vm0 =	vlt.u32 v27, v5;
	v34 =	vperm.xlane v15, v21;
	v21 =	vimm.s32 $0x0  }
0x8c: {  	v21 =	vsel vm0, $0xFFFFFFFF, v21  }
0x8d: {  	vm0 =	vlt.u32 v27, v6;
	[tilespmem:$0x1FF80] =	vst v21;
	v21 =	vimm.s32 $0x0  }
0x8e: {  	v21 =	vsel vm0, $0xFFFFFFFF, v21  }
0x8f: {  	vm0 =	vlt.u32 v27, v7;
	[tilespmem:$0x1FF90] =	vst v21;
	v21 =	vimm.s32 $0x0  }
0x90: {  	v21 =	vsel vm0, $0xFFFFFFFF, v21  }
0x91: {  	vm0 =	vlt.u32 v27, v8;
	[tilespmem:$0x1FFA0] =	vst v21;
	v21 =	vimm.s32 $0x0  }
0x92: {  	v21 =	vsel vm0, $0xFFFFFFFF, v21  }
0x93: {  	[tilespmem:$0x1FFB0] =	vst v21;
	v21 =	vld [tilespmem:$0x1FF80];
	_ =	sdelay $0x3  }
0x94: {  	vm4 =	vlt.u32 v27, v2;
	vm8 =	veq.f32 v34, v15  }
0x95: {  	vm4 =	vmand vm4, vm8;
	vm8 =	vnez.u8 v21;
	v21 =	vld [tilespmem:$0x1FF90]  }
0x96: {  	v31 =	vsel vm11, $0x1, v1  }
0x97: {  	v36 =	vsel vm1, $0x1, v1;
	v63 =	vsel vm3, $0x1, v1;
	v20 =	vadd.s32 v29, v20  }
0x98: {  	v22 =	vadd.s32 v30, v22;
	v23 =	vadd.s32 v32, v23;
	v26 =	vadd.s32 v35, v26  }
0x99: {  	v19 =	vadd.s32 v37, v19;
	vm11 =	vgt.f32 v34, v13;
	vm14 =	veq.f32 v34, v11  }
0x9a: {  	v29 =	vsel vm11, $0x1, v1;
	vm11 =	vmand vm8, vm14;
	vm8 =	vnez.u8 v21;
	v21 =	vld [tilespmem:$0x1FFA0]  }
0x9b: {  	v20 =	vadd.s32 v38, v20;
	v22 =	vadd.s32 v31, v22;
	v23 =	vadd.s32 v36, v23  }
0x9c: {  	v26 =	vadd.s32 v63, v26;
	vm5 =	vlt.u32 v27, v3;
	vm6 =	vlt.u32 v27, v4  }
0x9d: {  	vm7 =	vgt.f32 v34, v15;
	vm9 =	vgt.f32 v34, v14;
	vm10 =	veq.f32 v34, v14  }
0x9e: {  	vm12 =	veq.f32 v34, v13;
	vm13 =	vgt.f32 v34, v11;
	vm0 =	vgt.f32 v34, v9  }
0x9f: {  	vm15 =	vgt.f32 v34, v12;
	v33 =	vsel vm0, $0x1, v1;
	vm0 =	vnez.u8 v21;
	v21 =	vld [tilespmem:$0x1FFB0]  }
0xa0: {  	p0 =	sne.s32 s11, $0xF;
	vm1 =	veq.f32 v34, v12;
	vm2 =	veq.f32 v34, v9;
	vm3 =	vgt.f32 v34, v10  }
.Ltmp2:
0xa1: {  	v40 =	vsel vm7, $0x1, v1;
	vm7 =	veq.f32 v34, v10;
	vm5 =	vmand vm5, vm10;
	(pc) =	sbr.rel @p0 .LBB2_5-.Ltmp2, $4  }
0xa2: {  	vm6 =	vmand vm6, vm12;
	v30 =	vsel vm13, $0x1, v1;
	v32 =	vsel vm15, $0x1, v1  }
0xa3: {  	v35 =	vsel vm3, $0x1, v1;
	v39 =	vsel vm4, $0x1, v1;
	v37 =	vsel vm5, $0x1, v1  }
0xa4: {  	v38 =	vsel vm6, $0x1, v1;
	vm2 =	vmand vm0, vm2;
	vm0 =	vnez.u8 v21  }
0xa5: {  	s11 =	sadd.s32 $0x1, s11;
	v27 =	vsel vm9, $0x1, v1;
	vm1 =	vmand vm8, vm1;
	vm3 =	vmand vm0, vm7  }
0xa6: {  	v28 =	vadd.s32 v40, v28  }
0xa7: {  	v43 =	vsel vm11, $0x1, v1;
	v44 =	vsel vm1, $0x1, v1;
	v45 =	vsel vm2, $0x1, v1  }
0xa8: {  	v46 =	vsel vm3, $0x1, v1;
	vm0 =	vgt.f32 v34, v16;
	v25 =	vperm.xlane v14, v25  }
0xa9: {  	v19 =	vadd.s32 v27, v19;
	v20 =	vadd.s32 v29, v20;
	v22 =	vadd.s32 v30, v22  }
0xaa: {  	s11 =	simm.s32 $0x20;
	v31 =	vld [tilespmem:$0x1FFC0];
	v23 =	vadd.s32 v32, v23;
	v24 =	vadd.s32 v33, v24;
	v26 =	vadd.s32 v35, v26  }
0xab: {  	v17 =	vadd.s32 v17, v18;
	v21 =	vmov s11;
	v47 =	vsel vm0, $0x1, v1  }
0xac: {  	v28 =	vadd.s32 v39, v28;
	v19 =	vadd.s32 v37, v19;
	v20 =	vadd.s32 v38, v20  }
0xad: {  	v22 =	vadd.s32 v43, v22;
	v23 =	vadd.s32 v44, v23;
	v24 =	vadd.s32 v45, v24  }
0xae: {  	v26 =	vadd.s32 v46, v26;
	vm0 =	vlt.u32 v21, v3;
	vm1 =	vlt.u32 v21, v4  }
0xaf: {  	vm2 =	vlt.u32 v21, v5;
	vm3 =	vlt.u32 v21, v6;
	v31 =	vperm.xlane v14, v31  }
0xb0: {  	vm4 =	vlt.u32 v21, v7;
	vm5 =	vlt.u32 v21, v8;
	vm8 =	vgt.f32 v25, v13  }
0xb1: {  	v27 =	vadd.s32 v47, v17;
	v34 =	vsel vm8, $0x1, v1;
	vm6 =	vgt.f32 v31, v14  }
0xb2: {  	vm7 =	veq.f32 v31, v14;
	v48 =	vsel vm6, $0x1, v1;
	vm6 =	vgt.f32 v31, v13  }
0xb3: {  	vm0 =	vmand vm0, vm7;
	vm7 =	veq.f32 v31, v13;
	v49 =	vsel vm6, $0x1, v1  }
0xb4: {  	vm6 =	vgt.f32 v31, v11;
	vm1 =	vmand vm1, vm7;
	vm7 =	veq.f32 v31, v11  }
0xb5: {  	v54 =	vsel vm0, $0x1, v1;
	vm0 =	vgt.f32 v31, v16;
	v17 =	vadd.s32 v48, v19  }
0xb6: {  	v50 =	vsel vm6, $0x1, v1;
	vm6 =	vgt.f32 v31, v12;
	vm2 =	vmand vm2, vm7  }
0xb7: {  	vm7 =	veq.f32 v31, v12;
	v55 =	vsel vm1, $0x1, v1;
	vm1 =	vgt.f32 v31, v15  }
0xb8: {  	v60 =	vsel vm0, $0x1, v1;
	v18 =	vadd.s32 v49, v20;
	v17 =	vadd.s32 v54, v17  }
0xb9: {  	v51 =	vsel vm6, $0x1, v1;
	vm6 =	vgt.f32 v31, v9;
	vm3 =	vmand vm3, vm7  }
0xba: {  	vm7 =	veq.f32 v31, v9;
	v56 =	vsel vm2, $0x1, v1;
	v21 =	vsel vm1, $0x1, v1  }
0xbb: {  	v19 =	vadd.s32 v50, v22;
	v18 =	vadd.s32 v55, v18;
	v52 =	vsel vm6, $0x1, v1  }
0xbc: {  	s31 =	simm.s32 $0x21;
	vm6 =	vgt.f32 v31, v10;
	vm4 =	vmand vm4, vm7;
	vm7 =	veq.f32 v31, v10  }
0xbd: {  	v57 =	vsel vm3, $0x1, v1;
	v31 =	vmov s31;
	v20 =	vadd.s32 v56, v19  }
0xbe: {  	v19 =	vadd.s32 v51, v23;
	v53 =	vsel vm6, $0x1, v1;
	vm5 =	vmand vm5, vm7  }
0xbf: {  	v58 =	vsel vm4, $0x1, v1;
	vm0 =	vlt.u32 v31, v3;
	vm1 =	vlt.u32 v31, v4  }
0xc0: {  	vm2 =	vlt.u32 v31, v5;
	vm3 =	vlt.u32 v31, v6;
	vm4 =	vlt.u32 v31, v7  }
0xc1: {  	vm6 =	vgt.f32 v25, v14;
	vm7 =	veq.f32 v25, v14;
	v23 =	vadd.s32 v52, v24  }
0xc2: {  	v22 =	vadd.s32 v57, v19;
	v19 =	vadd.s32 v60, v27;
	v59 =	vsel vm5, $0x1, v1  }
0xc3: {  	vm5 =	vlt.u32 v31, v8;
	v31 =	vsel vm6, $0x1, v1;
	vm6 =	vmand vm0, vm7  }
0xc4: {  	vm7 =	veq.f32 v25, v13;
	vm0 =	vgt.f32 v25, v11;
	v24 =	vadd.s32 v53, v26  }
0xc5: {  	v23 =	vadd.s32 v58, v23;
	vm8 =	vmand vm1, vm7;
	vm7 =	veq.f32 v25, v11  }
0xc6: {  	v40 =	vsel vm0, $0x1, v1;
	vm0 =	vgt.f32 v25, v12;
	vm2 =	vmand vm2, vm7  }
0xc7: {  	vm7 =	veq.f32 v25, v12;
	v36 =	vsel vm0, $0x1, v1;
	vm0 =	veq.f32 v25, v9  }
0xc8: {  	vm3 =	vmand vm3, vm7;
	vm7 =	veq.f32 v25, v10;
	vm4 =	vmand vm4, vm0  }
0xc9: {  	vm0 =	vgt.f32 v25, v9;
	vm5 =	vmand vm5, vm7;
	vm7 =	vgt.f32 v25, v10  }
0xca: {  	s11 =	simm.s32 $0x2;
	v24 =	vadd.s32 v59, v24;
	v41 =	vsel vm0, $0x1, v1;
	v42 =	vsel vm7, $0x1, v1  }
.LBB2_7:
0xcb: {  	v26 =	vsel vm6, $0x1, v1;
	v27 =	vsel vm8, $0x1, v1;
	v29 =	vsel vm2, $0x1, v1  }
0xcc: {  	v30 =	vsel vm3, $0x1, v1;
	v32 =	vsel vm4, $0x1, v1;
	v33 =	vsel vm5, $0x1, v1  }
0xcd: {  	v17 =	vadd.s32 v31, v17;
	v18 =	vadd.s32 v34, v18;
	v20 =	vadd.s32 v40, v20  }
0xce: {  	v22 =	vadd.s32 v36, v22;
	vm0 =	vgt.f32 v25, v16;
	s12 =	sadd.s32 $0x20, s11;
	v17 =	vadd.s32 v26, v17  }
0xcf: {  	v18 =	vadd.s32 v27, v18;
	v26 =	vsel vm0, $0x1, v1;
	v27 =	vmov s12  }
0xd0: {  	v19 =	vadd.s32 v26, v19;
	vm0 =	vlt.u32 v27, v7;
	v26 =	vimm.s32 $0x0  }
0xd1: {  	v23 =	vadd.s32 v41, v23;
	v24 =	vadd.s32 v42, v24;
	v26 =	vsel vm0, $0xFFFFFFFF, v26  }
0xd2: {  	vm1 =	vgt.f32 v25, v15;
	vm0 =	vlt.u32 v27, v8;
	[tilespmem:$0x1FF60] =	vst v26;
	v26 =	vimm.s32 $0x0  }
0xd3: {  	v28 =	vadd.s32 v21, v28;
	v25 =	vmov s11;
	v26 =	vsel vm0, $0xFFFFFFFF, v26  }
0xd4: {  	v20 =	vadd.s32 v29, v20;
	v22 =	vadd.s32 v30, v22;
	v23 =	vadd.s32 v32, v23;
	[tilespmem:$0x1FF70] =	vst v26;
	v26 =	vld [tilespmem:$0x1FF60]  }
0xd5: {  	v24 =	vadd.s32 v33, v24;
	v21 =	vsel vm1, $0x1, v1;
	v25 =	vperm.xlane v14, v25  }
0xd6: {  	vm2 =	vlt.u32 v27, v3;
	vm3 =	vlt.u32 v27, v4;
	vm4 =	vlt.u32 v27, v5  }
0xd7: {  	vm5 =	vlt.u32 v27, v6;
	vm6 =	vgt.f32 v25, v14;
	vm7 =	veq.f32 v25, v14  }
0xd8: {  	vm8 =	vgt.f32 v25, v13;
	vm11 =	veq.f32 v25, v11;
	v31 =	vsel vm6, $0x1, v1  }
0xd9: {  	vm6 =	vmand vm2, vm7;
	vm2 =	vmand vm4, vm11;
	vm4 =	vnez.u8 v26;
	v26 =	vld [tilespmem:$0x1FF70]  }
0xda: {  	p0 =	sne.s32 s11, $0xF;
	vm9 =	veq.f32 v25, v13;
	vm10 =	vgt.f32 v25, v11;
	vm12 =	vgt.f32 v25, v12  }
.Ltmp3:
0xdb: {  	vm13 =	veq.f32 v25, v12;
	vm14 =	vgt.f32 v25, v9;
	vm15 =	veq.f32 v25, v9;
	(pc) =	sbr.rel @p0 .LBB2_7-.Ltmp3, $4  }
0xdc: {  	vm1 =	veq.f32 v25, v10;
	v34 =	vsel vm8, $0x1, v1;
	vm8 =	vmand vm3, vm9  }
0xdd: {  	v40 =	vsel vm10, $0x1, v1;
	v36 =	vsel vm12, $0x1, v1;
	vm0 =	vgt.f32 v25, v10  }
0xde: {  	vm3 =	vmand vm5, vm13;
	v42 =	vsel vm0, $0x1, v1;
	vm0 =	vnez.u8 v26  }
0xdf: {  	s11 =	sadd.s32 $0x1, s11;
	v41 =	vsel vm14, $0x1, v1;
	vm4 =	vmand vm4, vm15;
	vm5 =	vmand vm0, vm1  }
0xe0: {  	v26 =	vsel vm6, $0x1, v1;
	v27 =	vsel vm8, $0x1, v1  }
0xe1: {  	v29 =	vsel vm2, $0x1, v1;
	v30 =	vsel vm3, $0x1, v1;
	v32 =	vsel vm4, $0x1, v1  }
0xe2: {  	v33 =	vsel vm5, $0x1, v1;
	v17 =	vadd.s32 v31, v17;
	v18 =	vadd.s32 v34, v18  }
0xe3: {  	v20 =	vadd.s32 v40, v20;
	v23 =	vadd.s32 v41, v23;
	v24 =	vadd.s32 v42, v24  }
0xe4: {  	vm0 =	vgt.f32 v25, v16;
	vm1 =	vgt.f32 v25, v15;
	v21 =	vadd.s32 v21, v28  }
0xe5: {  	v17 =	vadd.s32 v26, v17;
	v18 =	vadd.s32 v27, v18;
	v26 =	vadd.s32 v29, v20  }
0xe6: {  	v20 =	vadd.s32 v36, v22;
	v23 =	vadd.s32 v32, v23;
	v24 =	vadd.s32 v33, v24  }
0xe7: {  	s11 =	simm.s32 $0x0;
	s12 =	simm.s32 $0x30;
	v25 =	vsel vm1, $0x1, v1;
	v22 =	vadd.s32 v30, v20;
	v20 =	vsel vm0, $0x1, v1  }
0xe8: {  	v28 =	vmov s12;
	v20 =	vadd.s32 v20, v19;
	v19 =	vmov s11  }
0xe9: {  	v21 =	vadd.s32 v25, v21;
	vm5 =	vlt.u32 v28, v4;
	v27 =	vperm.xlane v13, v19  }
0xea: {  	vm6 =	vlt.u32 v28, v5;
	vm7 =	vlt.u32 v28, v6;
	vm0 =	vlt.u32 v28, v7  }
0xeb: {  	p0 =	por $0x1, $0x1;
	vm1 =	vlt.u32 v28, v8;
	vm3 =	vgt.f32 v27, v13;
	vm8 =	veq.f32 v27, v13  }
.Ltmp4:
0xec: {  	vm9 =	vgt.f32 v27, v11;
	vm10 =	veq.f32 v27, v11;
	vm11 =	vgt.f32 v27, v12;
	(pc) =	sbr.rel @!p0 .LBB2_10-.Ltmp4, $4  }
0xed: {  	vm12 =	veq.f32 v27, v12;
	vm13 =	vgt.f32 v27, v9;
	vm2 =	veq.f32 v27, v9  }
0xee: {  	vm4 =	veq.f32 v27, v10;
	v25 =	vsel vm3, $0x1, v1;
	vm3 =	vgt.f32 v27, v10  }
0xef: {  	vm5 =	vmand vm5, vm8;
	v30 =	vsel vm9, $0x1, v1;
	vm6 =	vmand vm6, vm10  }
0xf0: {  	s11 =	simm.s32 $0x1;
	v28 =	vsel vm11, $0x1, v1;
	vm7 =	vmand vm7, vm12;
	v29 =	vsel vm13, $0x1, v1  }
.LBB2_9:
0xf1: {  	p1 =	sne.s32 s11, $0xF;
	vm0 =	vmand vm0, vm2;
	v31 =	vsel vm3, $0x1, v1;
	vm1 =	vmand vm1, vm4  }
0xf2: {  	v32 =	vsel vm5, $0x1, v1;
	v33 =	vsel vm6, $0x1, v1;
	v34 =	vsel vm7, $0x1, v1  }
0xf3: {  	v18 =	vadd.s32 v25, v18;
	v25 =	vadd.s32 v30, v26;
	v30 =	vsel vm0, $0x1, v1  }
0xf4: {  	v18 =	vadd.s32 v32, v18;
	v26 =	vadd.s32 v33, v25;
	v25 =	vsel vm1, $0x1, v1  }
0xf5: {  	v22 =	vadd.s32 v28, v22;
	v23 =	vadd.s32 v29, v23;
	v24 =	vadd.s32 v31, v24  }
0xf6: {  	v22 =	vadd.s32 v34, v22;
	v23 =	vadd.s32 v30, v23;
	v24 =	vadd.s32 v25, v24  }
0xf7: {  	vm2 =	vgt.f32 v27, v14;
	vm0 =	vgt.f32 v27, v16;
	vm1 =	vgt.f32 v27, v15  }
0xf8: {  	v28 =	vsel vm2, $0x1, v1;
	v25 =	vsel vm0, $0x1, v1;
	v27 =	vsel vm1, $0x1, v1  }
0xf9: {  	s12 =	sadd.s32 $0x30, s11;
	v17 =	vadd.s32 v28, v17;
	v20 =	vadd.s32 v25, v20;
	v21 =	vadd.s32 v27, v21  }
0xfa: {  	v28 =	vmov s12;
	v25 =	vmov s11  }
0xfb: {  	vm5 =	vlt.u32 v28, v4;
	v27 =	vperm.xlane v13, v25  }
0xfc: {  	vm6 =	vlt.u32 v28, v5;
	vm7 =	vlt.u32 v28, v6;
	vm0 =	vlt.u32 v28, v7  }
0xfd: {  	vm1 =	vlt.u32 v28, v8;
	vm3 =	vgt.f32 v27, v13;
	vm8 =	veq.f32 v27, v13  }
.Ltmp5:
0xfe: {  	vm9 =	vgt.f32 v27, v11;
	vm10 =	veq.f32 v27, v11;
	vm11 =	vgt.f32 v27, v12;
	(pc) =	sbr.rel @p1 .LBB2_9-.Ltmp5, $4  }
0xff: {  	vm12 =	veq.f32 v27, v12;
	vm13 =	vgt.f32 v27, v9;
	vm2 =	veq.f32 v27, v9  }
0x100: {  	vm4 =	veq.f32 v27, v10;
	v25 =	vsel vm3, $0x1, v1;
	vm3 =	vgt.f32 v27, v10  }
0x101: {  	vm5 =	vmand vm5, vm8;
	v30 =	vsel vm9, $0x1, v1;
	vm6 =	vmand vm6, vm10  }
0x102: {  	s11 =	sadd.s32 $0x1, s11;
	v28 =	vsel vm11, $0x1, v1;
	vm7 =	vmand vm7, vm12;
	v29 =	vsel vm13, $0x1, v1  }
.LBB2_10:
0x103: {  	vm0 =	vmand vm0, vm2  }
0x104: {  	v31 =	vsel vm3, $0x1, v1;
	vm1 =	vmand vm1, vm4;
	v32 =	vsel vm5, $0x1, v1  }
0x105: {  	v33 =	vsel vm6, $0x1, v1;
	v34 =	vsel vm7, $0x1, v1;
	v18 =	vadd.s32 v25, v18  }
0x106: {  	v25 =	vadd.s32 v30, v26;
	v22 =	vadd.s32 v28, v22;
	v61 =	vadd.s32 v29, v23  }
0x107: {  	vm2 =	vgt.f32 v27, v14;
	v26 =	vsel vm0, $0x1, v1;
	v18 =	vadd.s32 v32, v18  }
0x108: {  	v25 =	vadd.s32 v33, v25;
	v60 =	vsel vm1, $0x1, v1;
	v62 =	vadd.s32 v31, v24  }
0x109: {  	v23 =	vadd.s32 v34, v22;
	vm0 =	vgt.f32 v27, v16;
	vm1 =	vgt.f32 v27, v15  }
0x10a: {  	v63 =	vsel vm2, $0x1, v1;
	v24 =	vadd.s32 v26, v61;
	v22 =	vsel vm0, $0x1, v1  }
0x10b: {  	s11 =	simm.s32 $0x40;
	v26 =	vadd.s32 v60, v62;
	v27 =	vsel vm1, $0x1, v1;
	v22 =	vadd.s32 v22, v20  }
0x10c: {  	v20 =	vadd.s32 v27, v21;
	v21 =	vperm.xlane v11, v19;
	v27 =	vmov s11  }
.Ltmp6:
0x10d: {  	v19 =	vadd.s32 v63, v17;
	vm7 =	vlt.u32 v27, v5;
	vm1 =	vlt.u32 v27, v6;
	(pc) =	sbr.rel @!p0 .LBB2_12-.Ltmp6, $4  }
0x10e: {  	vm2 =	vlt.u32 v27, v7;
	vm0 =	vlt.u32 v27, v8;
	vm9 =	vgt.f32 v21, v11  }
0x10f: {  	vm10 =	veq.f32 v21, v11;
	vm3 =	vgt.f32 v21, v12;
	vm4 =	veq.f32 v21, v12  }
0x110: {  	vm8 =	vgt.f32 v21, v9;
	vm5 =	veq.f32 v21, v9;
	vm6 =	vgt.f32 v21, v10  }
0x111: {  	s11 =	simm.s32 $0x1;
	v17 =	vsel vm9, $0x1, v1;
	vm7 =	vmand vm7, vm10;
	vm9 =	veq.f32 v21, v10  }
.LBB2_11:
0x112: {  	p0 =	sne.s32 s11, $0xF;
	v27 =	vsel vm3, $0x1, v1;
	vm1 =	vmand vm1, vm4;
	v28 =	vsel vm8, $0x1, v1  }
0x113: {  	vm2 =	vmand vm2, vm5;
	v29 =	vsel vm6, $0x1, v1;
	vm0 =	vmand vm0, vm9  }
0x114: {  	v30 =	vsel vm7, $0x1, v1;
	v17 =	vadd.s32 v17, v25;
	v31 =	vsel vm1, $0x1, v1  }
0x115: {  	v25 =	vadd.s32 v30, v17;
	v17 =	vsel vm2, $0x1, v1;
	v30 =	vsel vm0, $0x1, v1  }
0x116: {  	v23 =	vadd.s32 v27, v23;
	v24 =	vadd.s32 v28, v24;
	v26 =	vadd.s32 v29, v26  }
0x117: {  	v23 =	vadd.s32 v31, v23;
	v24 =	vadd.s32 v17, v24;
	v26 =	vadd.s32 v30, v26  }
0x118: {  	vm0 =	vgt.f32 v21, v16;
	vm1 =	vgt.f32 v21, v15;
	vm2 =	vgt.f32 v21, v14  }
0x119: {  	v17 =	vsel vm0, $0x1, v1;
	v27 =	vsel vm1, $0x1, v1;
	vm0 =	vgt.f32 v21, v13  }
0x11a: {  	v22 =	vadd.s32 v17, v22;
	v17 =	vsel vm2, $0x1, v1;
	v28 =	vsel vm0, $0x1, v1  }
0x11b: {  	s12 =	sadd.s32 $0x40, s11;
	v21 =	vmov s11;
	v20 =	vadd.s32 v27, v20;
	v19 =	vadd.s32 v17, v19  }
0x11c: {  	v21 =	vperm.xlane v11, v21;
	v17 =	vmov s12;
	v18 =	vadd.s32 v28, v18  }
.Ltmp7:
0x11d: {  	vm7 =	vlt.u32 v17, v5;
	vm1 =	vlt.u32 v17, v6;
	(pc) =	sbr.rel @p0 .LBB2_11-.Ltmp7, $4  }
0x11e: {  	vm9 =	vgt.f32 v21, v11;
	vm2 =	vlt.u32 v17, v7;
	vm0 =	vlt.u32 v17, v8  }
0x11f: {  	vm10 =	veq.f32 v21, v11;
	vm3 =	vgt.f32 v21, v12;
	vm4 =	veq.f32 v21, v12  }
0x120: {  	vm8 =	vgt.f32 v21, v9;
	vm5 =	veq.f32 v21, v9;
	vm6 =	vgt.f32 v21, v10  }
0x121: {  	s11 =	sadd.s32 $0x1, s11;
	v17 =	vsel vm9, $0x1, v1;
	vm7 =	vmand vm7, vm10;
	vm9 =	veq.f32 v21, v10  }
.LBB2_12:
0x122: {  	v27 =	vsel vm3, $0x1, v1;
	vm1 =	vmand vm1, vm4;
	v28 =	vsel vm8, $0x1, v1  }
0x123: {  	vm2 =	vmand vm2, vm5;
	v29 =	vsel vm6, $0x1, v1;
	vm0 =	vmand vm0, vm9  }
0x124: {  	v30 =	vsel vm7, $0x1, v1;
	v17 =	vadd.s32 v17, v25;
	v25 =	vsel vm1, $0x1, v1  }
0x125: {  	v17 =	vadd.s32 v30, v17;
	v63 =	vsel vm2, $0x1, v1;
	v31 =	vsel vm0, $0x1, v1  }
0x126: {  	v23 =	vadd.s32 v27, v23;
	v27 =	vadd.s32 v28, v24;
	v26 =	vadd.s32 v29, v26  }
0x127: {  	vm0 =	vgt.f32 v21, v16;
	vm1 =	vgt.f32 v21, v15;
	vm2 =	vgt.f32 v21, v14  }
0x128: {  	v24 =	vadd.s32 v25, v23;
	v25 =	vadd.s32 v63, v27;
	v26 =	vadd.s32 v31, v26  }
0x129: {  	v23 =	vsel vm0, $0x1, v1;
	v27 =	vsel vm1, $0x1, v1;
	vm0 =	vgt.f32 v21, v13  }
0x12a: {  	s11 =	simm.s32 $0x0;
	v21 =	vadd.s32 v23, v22;
	v23 =	vsel vm2, $0x1, v1;
	v28 =	vsel vm0, $0x1, v1  }
0x12b: {  	s31 =	simm.s32 $0x50;
	v22 =	vadd.s32 v27, v20;
	v20 =	vadd.s32 v23, v19;
	v19 =	vmov s11  }
0x12c: {  	v23 =	vadd.s32 v28, v18;
	v18 =	vmov s31;
	v27 =	vperm.xlane v12, v19  }
0x12d: {  	vm2 =	vlt.u32 v18, v6;
	vm1 =	vlt.u32 v18, v7;
	vm0 =	vlt.u32 v18, v8  }
0x12e: {  	s11 =	simm.s32 $0x1;
	vm3 =	vgt.f32 v27, v12;
	vm4 =	veq.f32 v27, v12;
	vm5 =	vgt.f32 v27, v9  }
.LBB2_13:
0x12f: {  	p0 =	sne.s32 s11, $0xF;
	vm6 =	veq.f32 v27, v9;
	vm7 =	vgt.f32 v27, v10;
	vm8 =	veq.f32 v27, v10  }
0x130: {  	v18 =	vsel vm3, $0x1, v1;
	vm2 =	vmand vm2, vm4;
	v28 =	vsel vm5, $0x1, v1  }
0x131: {  	vm1 =	vmand vm1, vm6;
	v29 =	vsel vm7, $0x1, v1;
	vm0 =	vmand vm0, vm8  }
0x132: {  	v30 =	vsel vm2, $0x1, v1;
	v31 =	vsel vm1, $0x1, v1;
	v32 =	vsel vm0, $0x1, v1  }
0x133: {  	v18 =	vadd.s32 v18, v24;
	v25 =	vadd.s32 v28, v25;
	v26 =	vadd.s32 v29, v26  }
0x134: {  	v24 =	vadd.s32 v30, v18;
	v25 =	vadd.s32 v31, v25;
	v26 =	vadd.s32 v32, v26  }
0x135: {  	vm2 =	vgt.f32 v27, v14;
	vm0 =	vgt.f32 v27, v16;
	vm1 =	vgt.f32 v27, v15  }
0x136: {  	vm3 =	vgt.f32 v27, v11;
	v18 =	vsel vm0, $0x1, v1;
	vm0 =	vgt.f32 v27, v13  }
0x137: {  	v28 =	vsel vm2, $0x1, v1;
	v27 =	vsel vm1, $0x1, v1;
	v29 =	vsel vm0, $0x1, v1  }
.Ltmp8:
0x138: {  	v21 =	vadd.s32 v18, v21;
	v22 =	vadd.s32 v27, v22;
	v18 =	vsel vm3, $0x1, v1;
	(pc) =	sbr.rel @p0 .LBB2_13-.Ltmp8, $4  }
0x139: {  	s12 =	sadd.s32 $0x50, s11;
	v20 =	vadd.s32 v28, v20;
	v27 =	vmov s11;
	v23 =	vadd.s32 v29, v23  }
0x13a: {  	v28 =	vmov s12;
	v27 =	vperm.xlane v12, v27;
	v17 =	vadd.s32 v18, v17  }
0x13b: {  	vm2 =	vlt.u32 v28, v6;
	vm1 =	vlt.u32 v28, v7;
	vm0 =	vlt.u32 v28, v8  }
0x13c: {  	s11 =	sadd.s32 $0x1, s11;
	vm3 =	vgt.f32 v27, v12;
	vm4 =	veq.f32 v27, v12;
	vm5 =	vgt.f32 v27, v9  }
0x13d: {  	vm6 =	veq.f32 v27, v9;
	vm7 =	vgt.f32 v27, v10  }
0x13e: {  	vm8 =	veq.f32 v27, v10;
	v18 =	vsel vm3, $0x1, v1;
	vm2 =	vmand vm2, vm4  }
0x13f: {  	v28 =	vsel vm5, $0x1, v1;
	vm11 =	vgt.f32 v27, v16;
	vm12 =	vgt.f32 v27, v15  }
0x140: {  	vm13 =	vgt.f32 v27, v14;
	vm14 =	vgt.f32 v27, v13;
	vm15 =	vgt.f32 v27, v11  }
0x141: {  	v19 =	vperm.xlane v9, v19;
	vm1 =	vmand vm1, vm6;
	v29 =	vsel vm7, $0x1, v1  }
0x142: {  	vm0 =	vmand vm0, vm8;
	v30 =	vsel vm2, $0x1, v1;
	v18 =	vadd.s32 v18, v24  }
0x143: {  	v24 =	vadd.s32 v28, v25;
	v27 =	vsel vm12, $0x1, v1;
	v62 =	vsel vm13, $0x1, v1  }
0x144: {  	v63 =	vsel vm14, $0x1, v1;
	v31 =	vsel vm1, $0x1, v1;
	v32 =	vsel vm0, $0x1, v1  }
0x145: {  	v25 =	vadd.s32 v29, v26;
	v18 =	vadd.s32 v30, v18;
	v23 =	vadd.s32 v63, v23  }
0x146: {  	v26 =	vadd.s32 v31, v24;
	v25 =	vadd.s32 v32, v25;
	v24 =	vsel vm11, $0x1, v1  }
0x147: {  	s11 =	simm.s32 $0x60;
	v24 =	vadd.s32 v24, v21;
	v21 =	vadd.s32 v27, v22;
	v27 =	vsel vm15, $0x1, v1  }
0x148: {  	v22 =	vadd.s32 v62, v20;
	v20 =	vadd.s32 v27, v17;
	v17 =	vmov s11;
	s11 =	simm.s32 $0x1  }
.LBB2_15:
0x149: {  	p0 =	sne.s32 s11, $0xF;
	vm0 =	vlt.u32 v17, v7;
	vm1 =	vlt.u32 v17, v8  }
0x14a: {  	vm2 =	vgt.f32 v19, v9;
	vm3 =	veq.f32 v19, v9;
	vm4 =	vgt.f32 v19, v10  }
0x14b: {  	v17 =	vsel vm2, $0x1, v1;
	vm0 =	vmand vm0, vm3;
	vm2 =	veq.f32 v19, v10  }
0x14c: {  	v28 =	vsel vm4, $0x1, v1;
	v27 =	vsel vm0, $0x1, v1;
	vm0 =	vmand vm1, vm2  }
0x14d: {  	v17 =	vadd.s32 v17, v26;
	v25 =	vadd.s32 v28, v25;
	v29 =	vsel vm0, $0x1, v1  }
0x14e: {  	vm0 =	vgt.f32 v19, v16;
	v26 =	vadd.s32 v27, v17;
	v25 =	vadd.s32 v29, v25  }
0x14f: {  	vm3 =	vgt.f32 v19, v13;
	vm1 =	vgt.f32 v19, v15;
	vm2 =	vgt.f32 v19, v14  }
0x150: {  	vm4 =	vgt.f32 v19, v12;
	v17 =	vsel vm0, $0x1, v1;
	vm0 =	vgt.f32 v19, v11  }
.Ltmp9:
0x151: {  	v28 =	vsel vm3, $0x1, v1;
	v27 =	vsel vm2, $0x1, v1;
	v19 =	vsel vm1, $0x1, v1;
	(pc) =	sbr.rel @p0 .LBB2_15-.Ltmp9, $4  }
0x152: {  	v29 =	vsel vm4, $0x1, v1;
	v24 =	vadd.s32 v17, v24;
	v17 =	vsel vm0, $0x1, v1  }
0x153: {  	v23 =	vadd.s32 v28, v23;
	v22 =	vadd.s32 v27, v22;
	v21 =	vadd.s32 v19, v21  }
0x154: {  	s12 =	sadd.s32 $0x60, s11;
	v19 =	vmov s11;
	v18 =	vadd.s32 v29, v18;
	v20 =	vadd.s32 v17, v20  }
0x155: {  	s11 =	sadd.s32 $0x1, s11;
	v19 =	vperm.xlane v9, v19;
	v17 =	vmov s12  }
0x156: {  	vm0 =	vlt.u32 v17, v7  }
0x157: {  	vm1 =	vlt.u32 v17, v8;
	vm2 =	vgt.f32 v19, v9;
	vm3 =	veq.f32 v19, v9  }
0x158: {  	vm4 =	vgt.f32 v19, v10;
	vm8 =	veq.f32 v19, v10;
	vm10 =	vgt.f32 v19, v16  }
0x159: {  	vm11 =	vgt.f32 v19, v15;
	vm12 =	vgt.f32 v19, v14;
	vm13 =	vgt.f32 v19, v13  }
0x15a: {  	vm14 =	vgt.f32 v19, v11;
	vm15 =	vgt.f32 v19, v12;
	vm0 =	vmand vm0, vm3  }
0x15b: {  	v17 =	vsel vm2, $0x1, v1;
	vm9 =	vmand vm1, vm8;
	v28 =	vsel vm4, $0x1, v1  }
0x15c: {  	v19 =	vsel vm11, $0x1, v1;
	v29 =	vsel vm15, $0x1, v1;
	v27 =	vsel vm0, $0x1, v1  }
0x15d: {  	s11 =	simm.s32 $0x0;
	v17 =	vadd.s32 v17, v26;
	v26 =	vsel vm9, $0x1, v1;
	v25 =	vadd.s32 v28, v25  }
0x15e: {  	v28 =	vsel vm13, $0x1, v1;
	v21 =	vadd.s32 v19, v21;
	v19 =	vmov s11  }
0x15f: {  	v17 =	vadd.s32 v27, v17;
	v25 =	vadd.s32 v26, v25;
	v26 =	vsel vm10, $0x1, v1  }
0x160: {  	v27 =	vsel vm12, $0x1, v1;
	v31 =	vadd.s32 v28, v23;
	v24 =	vadd.s32 v26, v24  }
0x161: {  	s11 =	simm.s32 $0x1;
	v26 =	vsel vm14, $0x1, v1;
	v30 =	vadd.s32 v27, v22;
	v22 =	vperm.xlane v10, v19  }
0x162: {  	s31 =	simm.s32 $0x70;
	v28 =	vmov s11;
	v19 =	vadd.s32 v26, v20;
	v20 =	vadd.s32 v29, v18  }
0x163: {  	v18 =	vmov s31;
	vm7 =	vgt.f32 v22, v10;
	vm8 =	veq.f32 v22, v10  }
0x164: {  	vm9 =	vlt.u32 v18, v8;
	vm10 =	vgt.f32 v22, v16;
	vm12 =	vgt.f32 v22, v15  }
0x165: {  	vm13 =	vgt.f32 v22, v14;
	vm14 =	vgt.f32 v22, v13;
	vm15 =	vgt.f32 v22, v11  }
0x166: {  	vm5 =	vgt.f32 v22, v12;
	vm6 =	vgt.f32 v22, v9;
	v18 =	vsel vm7, $0x1, v1  }
0x167: {  	vm11 =	vmand vm9, vm8;
	v22 =	vsel vm10, $0x1, v1;
	v29 =	vsel vm13, $0x1, v1  }
0x168: {  	v32 =	vsel vm14, $0x1, v1;
	v26 =	vsel vm15, $0x1, v1;
	v27 =	vsel vm5, $0x1, v1  }
0x169: {  	v23 =	vsel vm11, $0x1, v1;
	v18 =	vadd.s32 v18, v25;
	v24 =	vadd.s32 v22, v24  }
0x16a: {  	v25 =	vsel vm6, $0x1, v1;
	v18 =	vadd.s32 v23, v18;
	v23 =	vsel vm12, $0x1, v1  }
0x16b: {  	s12 =	simm.s32 $0x2;
	v22 =	vadd.s32 v23, v21;
	v23 =	vadd.s32 v29, v30;
	v21 =	vadd.s32 v32, v31  }
.LBB2_17:
0x16c: {  	p0 =	sne.s32 s12, $0xF;
	v28 =	vperm.xlane v10, v28;
	s13 =	sadd.s32 $0x70, s11;
	v19 =	vadd.s32 v26, v19;
	v20 =	vadd.s32 v27, v20;
	s11 =	smov.u32 s12  }
0x16d: {  	v17 =	vadd.s32 v25, v17;
	v26 =	vmov s13  }
0x16e: {  	vm0 =	vgt.f32 v28, v10;
	vm1 =	veq.f32 v28, v10;
	vm2 =	vlt.u32 v26, v8  }
0x16f: {  	vm3 =	vgt.f32 v28, v16;
	v25 =	vsel vm0, $0x1, v1;
	vm0 =	vmand vm2, vm1  }
0x170: {  	vm1 =	vgt.f32 v28, v15;
	v26 =	vsel vm0, $0x1, v1;
	v18 =	vadd.s32 v25, v18  }
0x171: {  	vm2 =	vgt.f32 v28, v13;
	vm0 =	vgt.f32 v28, v14;
	v18 =	vadd.s32 v26, v18  }
.Ltmp10:
0x172: {  	vm4 =	vgt.f32 v28, v11;
	vm5 =	vgt.f32 v28, v12;
	vm6 =	vgt.f32 v28, v9;
	(pc) =	sbr.rel @p0 .LBB2_17-.Ltmp10, $4  }
0x173: {  	v25 =	vsel vm3, $0x1, v1;
	v28 =	vsel vm1, $0x1, v1;
	v29 =	vsel vm0, $0x1, v1  }
0x174: {  	v27 =	vsel vm5, $0x1, v1;
	v30 =	vsel vm2, $0x1, v1;
	v26 =	vsel vm4, $0x1, v1  }
0x175: {  	v24 =	vadd.s32 v25, v24;
	v22 =	vadd.s32 v28, v22;
	v25 =	vsel vm6, $0x1, v1  }
0x176: {  	s12 =	sadd.s32 $0x1, s12;
	v28 =	vmov s11;
	v21 =	vadd.s32 v30, v21;
	v23 =	vadd.s32 v29, v23  }
0x177: {  	v28 =	vperm.xlane v10, v28;
	_ =	sdelay $0x1  }
0x178: {  	vm0 =	vgt.f32 v28, v16  }
0x179: {  	v29 =	vsel vm0, $0x1, v1  }
0x17a: {  	vm9 =	vgt.f32 v28, v15;
	v24 =	vadd.s32 v29, v24  }
0x17b: {  	v51 =	vsel vm9, $0x1, v1  }
0x17c: {  	vm10 =	vgt.f32 v28, v14;
	v22 =	vadd.s32 v51, v22  }
0x17d: {  	v52 =	vsel vm10, $0x1, v1  }
0x17e: {  	vm11 =	vgt.f32 v28, v13;
	v23 =	vadd.s32 v52, v23  }
0x17f: {  	v53 =	vsel vm11, $0x1, v1;
	[tilespmem:v24+s8+$0x0] =	vst.idx.msk $0xffff, v0  }
0x180: {  	vm12 =	vgt.f32 v28, v11;
	v21 =	vadd.s32 v53, v21;
	[tilespmem:v24+s9+$0x0] =	vst.idx.msk $0xffff, v16  }
0x181: {  	v54 =	vadd.s32 v26, v19;
	v55 =	vadd.s32 v27, v20;
	v56 =	vsel vm12, $0x1, v1;
	[tilespmem:v22+s8+$0x0] =	vst.idx.msk $0xffff, v2  }
0x182: {  	vm13 =	vgt.f32 v28, v12;
	v16 =	vadd.s32 v56, v54;
	[tilespmem:v22+s9+$0x0] =	vst.idx.msk $0xffff, v15  }
0x183: {  	s11 =	sadd.s32 $0x70, s11;
	v57 =	vadd.s32 v25, v17;
	vm1 =	vgt.f32 v28, v10;
	v58 =	vsel vm13, $0x1, v1;
	[tilespmem:v23+s8+$0x0] =	vst.idx.msk $0xffff, v3  }
0x184: {  	v59 =	vmov s11;
	vm14 =	vgt.f32 v28, v9;
	v17 =	vadd.s32 v58, v55;
	[tilespmem:v23+s9+$0x0] =	vst.idx.msk $0xffff, v14  }
0x185: {  	vm2 =	veq.f32 v28, v10;
	vm3 =	vlt.u32 v59, v8;
	v60 =	vsel vm14, $0x1, v1;
	[tilespmem:v21+s8+$0x0] =	vst.idx.msk $0xffff, v4  }
0x186: {  	v61 =	vsel vm1, $0x1, v1;
	vm15 =	vmand vm3, vm2;
	v14 =	vadd.s32 v60, v57;
	[tilespmem:v21+s9+$0x0] =	vst.idx.msk $0xffff, v13  }
0x187: {  	v62 =	vsel vm15, $0x1, v1;
	v63 =	vadd.s32 v61, v18;
	[tilespmem:v16+s8+$0x0] =	vst.idx.msk $0xffff, v5  }
0x188: {  	v13 =	vadd.s32 v62, v63;
	[tilespmem:v16+s9+$0x0] =	vst.idx.msk $0xffff, v11  }
0x189: {  	[tilespmem:v17+s8+$0x0] =	vst.idx.msk $0xffff, v6  }
0x18a: {  	[tilespmem:v17+s9+$0x0] =	vst.idx.msk $0xffff, v12  }
0x18b: {  	[tilespmem:v14+s8+$0x0] =	vst.idx.msk $0xffff, v7  }
0x18c: {  	[tilespmem:v14+s9+$0x0] =	vst.idx.msk $0xffff, v9  }
0x18d: {  	[tilespmem:v13+s8+$0x0] =	vst.idx.msk $0xffff, v8  }
0x18e: {  	[tilespmem:v13+s9+$0x0] =	vst.idx.msk $0xffff, v10  }
0x18f: {  	[hbm4b:s3+s6] =	stream.linear.scatter [tilespmem:s8], [sflag:$0x1], $0x80, $0x38;
	[tilespmem:$0x300] =	vst v63  }
0x190: {  	s10 =	sadd.s32 $0x1, s10;
	_ =	swait.ge [sflag:s7], $0x80  }
0x191: {  	p0 =	sne.s32 s10, s5;
	[sflag:s7] =	ssyncset.done $0x0  }
.Ltmp11:
0x192: {  	[sflag:s7] =	ssyncadd.s32 $0xFFFFFF80;
	(pc) =	sbr.rel @p0 .LBB2_2-.Ltmp11, $4  }
0x193: {  	[hbm4b:s4+s6] =	stream.linear.scatter [tilespmem:s9], [sflag:$0x1], $0x80, $0x38;
	[tilespmem:$0x300] =	vst v63  }
0x194: {  	_ =	swait.ge [sflag:s7], $0x80  }
0x195: {  	[sflag:s7] =	ssyncset.done $0x0  }
0x196: {  	[sflag:s7] =	ssyncadd.s32 $0xFFFFFF80  }
.LBB2_19:
0x197: {  	_ =	sfence.sel $0x180000  }
0x198: {  	[bflag:$0x0] =	sbarrier.arrive $0xFFFF  }
0x199: {  	p0 =	sne.s32 s0, $0x0;
	_ =	strace $0x90000047  }
0x19a: {  	s0 =	sadd.s32 @!p0 $0x100000, s2;
	[bflag:$0x2] =	sbarrier.arrive $0xFFFF  }
0x19b: {  	[sflag:s0] =	ssyncadd.tile.s32 @!p0 $0x1;
	_ =	shalt  }
.Lfunc_end2:
_tile_overlayer_lowered:
.L_overlay_start_2:
0x19c: {  	(tag) =	ssettag $0x2  }
0x19d: {  	s0 =	rddreg [dreg:$0x0];
	s2 =	stileid.u32  }
0x19e: {  	s1 =	rddreg [dreg:$0x1];
	p0 =	sne.s32 s2, $0x0  }
0x19f: {  	s3 =	rddreg [dreg:$0x2];
	[bflag:$0x3] =	sbarrier.arrive $0xFFFF;
	s2 =	simm.s32 @!p0 $0x1C01  }
0x1a0: {  	[timem:s3], [sflag:s2] =	dma.local @!p0 [hbm:s0], s1  }
0x1a1: {  	s0 =	simm.s32 @!p0 $0x1  }
0x1a2: {  	_ =	swait.ge @!p0 [sflag:s0], s1  }
0x1a3: {  	s1 =	ssub.s32 @!p0 $0x0, s1;
	[sflag:s0] =	ssyncset.done @!p0 $0x0  }
0x1a4: {  	[sflag:s0] =	ssyncadd.s32 @!p0 s1  }
0x1a5: {  	[bflag:$0x3] =	sbarrier.arrive $0xFFFF  }
0x1a6: {  	_ =	shalt  }

</sc_bundles>
